<compile_context>
chip_gen: v7x
topology: tpu7x:2x2x1
jax: 0.10.2.dev20260603
libtpu: 0.0.44.dev20260713+nightly
codegen_flags: <defaults>
</compile_context>

<pallas_src>
import functools

import jax
import jax.numpy as jnp
from jax import lax
from jax.experimental import pallas as pl
from jax.experimental.pallas import tpu as pltpu
from jax.experimental.pallas import tpu_sc as plsc

NC = 2
NS = 16
NW = NC * NS
CHUNK = 128


def _mesh():
  return plsc.VectorSubcoreMesh(core_axis_name="c", subcore_axis_name="s")


def _make_deg(e_pad, hb, n):
  per_tile = e_pad // NW

  @functools.partial(
      pl.kernel,
      out_type=jax.ShapeDtypeStruct((NC, hb, 128), jnp.float32),
      mesh=_mesh(),
      compiler_params=pltpu.CompilerParams(needs_layout_passes=False),
      scratch_types=[
          pltpu.VMEM((per_tile,), jnp.int32),
          pltpu.VMEM((hb, 128), jnp.float32),
          pltpu.VMEM((hb,), jnp.int32),
          pltpu.VMEM_SHARED((hb, 128), jnp.float32),
      ],
  )
  def deg_kernel(rowp, zeros, out, rowv, hist, iotav, shist):
    c = lax.axis_index("c")
    s = lax.axis_index("s")
    wid = c * NS + s

    @pl.when(s == 0)
    def _():
      pltpu.sync_copy(zeros.at[pl.ds(0, hb)], shist)

    def zero_row(r, _):
      def zero_col(j, _):
        hist[r, pl.ds(j * 16, 16)] = jnp.zeros((16,), jnp.float32)
        return ()
      lax.fori_loop(0, 8, zero_col, ())
      return ()
    lax.fori_loop(0, hb, zero_row, ())

    def fill_iota(i, _):
      iotav[pl.ds(i * 16, 16)] = lax.iota(jnp.int32, 16) + i * 16
      return ()
    lax.fori_loop(0, hb // 16, fill_iota, ())

    pltpu.sync_copy(rowp.at[pl.ds(wid * per_tile, per_tile)], rowv)

    ones = jnp.ones((16,), jnp.float32)

    def body(i, _):
      idx = rowv[pl.ds(i * 16, 16)]
      ir = lax.shift_right_logical(idx, 7)
      ic = lax.bitwise_and(idx, 127)
      plsc.addupdate_scatter(hist, [ir, ic], ones)
      return ()

    lax.fori_loop(0, per_tile // 16, body, ())
    plsc.subcore_barrier()

    pltpu.sync_copy(hist, shist.at[iotav], add=True)
    plsc.subcore_barrier()

    @pl.when(s == 0)
    def _():
      pltpu.sync_copy(shist, out.at[c])

  return deg_kernel


def _make_agg(e_pad, n_acc, n):
  chunks = e_pad // (NW * CHUNK)
  assert chunks % 2 == 0
  ngroups = chunks // 2

  @functools.partial(
      pl.kernel,
      out_type=jax.ShapeDtypeStruct((NC, n, 128), jnp.float32),
      mesh=_mesh(),
      scratch_types=[
          pltpu.VMEM((CHUNK,), jnp.int32),
          pltpu.VMEM((CHUNK,), jnp.int32),
          pltpu.VMEM((CHUNK,), jnp.int32),
          pltpu.VMEM((CHUNK,), jnp.int32),
          pltpu.VMEM((CHUNK, 128), jnp.float32),
          pltpu.VMEM((CHUNK, 128), jnp.float32),
          pltpu.VMEM_SHARED((n_acc, 128), jnp.float32),
          pltpu.SemaphoreType.DMA,
          pltpu.SemaphoreType.DMA,
      ],
  )
  def agg_kernel(src, zeros, colp, rowp, out, colA, rowA, colB, rowB,
                 gbufA, gbufB, acc, gsemA, gsemB):
    c = lax.axis_index("c")
    s = lax.axis_index("s")
    wid = c * NS + s

    @pl.when((s == 0) & (c == 0))
    def _():
      pltpu.sync_copy(src, acc.at[pl.ds(0, n)])

    @pl.when((s == 0) & (c == 1))
    def _():
      pltpu.sync_copy(zeros, acc.at[pl.ds(0, n)])

    def load_idx(ci, colv, rowv):
      base = (wid * chunks + ci) * CHUNK
      pltpu.sync_copy(colp.at[pl.ds(base, CHUNK)], colv)
      pltpu.sync_copy(rowp.at[pl.ds(base, CHUNK)], rowv)

    def g_desc(colv, gbuf, sem):
      return pltpu.make_async_copy(src.at[colv], gbuf, sem)

    plsc.subcore_barrier()
    load_idx(0, colA, rowA)
    g_desc(colA, gbufA, gsemA).start()

    def body(g, _):
      i0 = g * 2
      load_idx(i0 + 1, colB, rowB)
      g_desc(colA, gbufA, gsemA).wait()
      g_desc(colB, gbufB, gsemB).start()
      pltpu.sync_copy(gbufA, acc.at[rowA], add=True)

      @pl.when(g < ngroups - 1)
      def _():
        load_idx(i0 + 2, colA, rowA)

      g_desc(colB, gbufB, gsemB).wait()

      @pl.when(g < ngroups - 1)
      def _():
        g_desc(colA, gbufA, gsemA).start()

      pltpu.sync_copy(gbufB, acc.at[rowB], add=True)
      return ()

    lax.fori_loop(0, ngroups, body, (), unroll=False)
    plsc.subcore_barrier()

    @pl.when(s == 0)
    def _():
      pltpu.sync_copy(acc.at[pl.ds(0, n)], out.at[c])

  return agg_kernel


def _tc0_body(p_ref, out_ref):
  d = p_ref[0] + p_ref[1] + 1.0
  out_ref[...] = jnp.where(d > 0.0, lax.rsqrt(d), 0.0)


def _tc1_body(x_ref, w1t_ref, b1_ref, dis_ref, out_ref):
  h = jnp.dot(x_ref[...], w1t_ref[...], preferred_element_type=jnp.float32)
  out_ref[...] = (h + b1_ref[...]) * dis_ref[...]


def _tc2_body(p_ref, dis_ref, w2t_ref, b2_ref, out_ref):
  dis = dis_ref[...]
  a = (p_ref[0] + p_ref[1]) * dis
  r = jnp.maximum(a, 0.0)
  h = jnp.dot(r, w2t_ref[...], preferred_element_type=jnp.float32)
  out_ref[...] = (h + b2_ref[...]) * dis


def _tc3_body(p_ref, dis_ref, out_ref):
  out_ref[...] = (p_ref[0] + p_ref[1]) * dis_ref[...]


def kernel(x, edge_index, num_nodes, W1, b1, W2, b2):
  n, d_in = x.shape
  e = edge_index.shape[1]
  del num_nodes

  chunks_pt = -(-e // (NW * CHUNK))
  chunks_pt = -(-chunks_pt // 2) * 2
  per_tile = chunks_pt * CHUNK
  e_pad = per_tile * NW
  n_acc = n + 2048
  hb = -(-n_acc // 128)
  hb = -(-hb // 16) * 16

  row = edge_index[0]
  col = edge_index[1]
  pad = e_pad - e
  pad_idx = jnp.arange(pad, dtype=jnp.int32)
  rowp = jnp.concatenate([row, n + (pad_idx % 2048)])
  colp = jnp.concatenate([col, pad_idx % n])
  rowp2 = rowp.reshape(-1, CHUNK)
  colp2 = colp.reshape(-1, CHUNK)

  zeros = jnp.zeros((n, 128), jnp.float32)

  degp = _make_deg(e_pad, hb, n)(rowp, zeros)

  dis2d = pl.pallas_call(
      _tc0_body,
      grid=(1,),
      in_specs=[pl.BlockSpec((NC, hb, 128), lambda i: (0, 0, 0))],
      out_specs=pl.BlockSpec((hb, 128), lambda i: (0, 0)),
      out_shape=jax.ShapeDtypeStruct((hb, 128), jnp.float32),
  )(degp)
  dis = dis2d.reshape(-1)[:n, None]

  grid = 10
  blk = n // grid
  dis_spec = pl.BlockSpec((blk, 1), lambda i: (i, 0))
  mat_spec = pl.BlockSpec((d_in, 128), lambda i: (0, 0))
  bias_spec = pl.BlockSpec((1, 128), lambda i: (0, 0))
  row_spec = pl.BlockSpec((blk, 128), lambda i: (i, 0))
  part_spec = pl.BlockSpec((NC, blk, 128), lambda i: (0, i, 0))

  s1 = pl.pallas_call(
      _tc1_body,
      grid=(grid,),
      in_specs=[row_spec, mat_spec, bias_spec, dis_spec],
      out_specs=row_spec,
      out_shape=jax.ShapeDtypeStruct((n, 128), jnp.float32),
  )(x, W1.T, b1[None, :], dis)

  agg = _make_agg(e_pad, n_acc, n)
  p1 = agg(s1, zeros, colp, rowp)

  s2 = pl.pallas_call(
      _tc2_body,
      grid=(grid,),
      in_specs=[part_spec, dis_spec, mat_spec, bias_spec],
      out_specs=row_spec,
      out_shape=jax.ShapeDtypeStruct((n, 128), jnp.float32),
  )(p1, dis, W2.T, b2[None, :])

  p2 = agg(s2, zeros, colp, rowp)

  out = pl.pallas_call(
      _tc3_body,
      grid=(grid,),
      in_specs=[part_spec, dis_spec],
      out_specs=row_spec,
      out_shape=jax.ShapeDtypeStruct((n, 128), jnp.float32),
  )(p2, dis)

  return out

# --- scband reference (transcript-rebuilt; emitter-appended) ---
"""Pipeline reference for scband-gcn-68143951118625 (READ-ONLY COPY).

The authoritative reference and input builder live on the scoring server;
editing this copy changes nothing except your own understanding.
"""

import jax, jax.numpy as jnp
import numpy as np

N = 10000
E = 320000
D_IN = 128
D_HID = 128
D_OUT = 128


def _glorot(key, shape):
    fan_in, fan_out = shape[1], shape[0]
    limit = np.sqrt(6.0 / (fan_in + fan_out))
    return jax.random.uniform(key, shape, dtype=jnp.float32, minval=-limit, maxval=limit)


def setup_inputs(seed: int = 0) -> dict:
    key = jax.random.key(seed)
    k1, k2, k3, k4 = jax.random.split(key, 4)
    x = jax.random.normal(k1, (N, D_IN), dtype=jnp.float32)
    edge_index = jax.random.randint(k2, (2, E), 0, N, dtype=jnp.int32)
    W1 = _glorot(k3, (D_HID, D_IN))
    b1 = jnp.zeros((D_HID,), dtype=jnp.float32)
    W2 = _glorot(k4, (D_OUT, D_HID))
    b2 = jnp.zeros((D_OUT,), dtype=jnp.float32)
    return {"x": x, "edge_index": edge_index, "num_nodes": N,
            "W1": W1, "b1": b1, "W2": W2, "b2": b2}


def _normalize_adj(edge_index, num_nodes, n_static):
    loops = jnp.arange(n_static, dtype=edge_index.dtype) % num_nodes.astype(edge_index.dtype)
    self_loop_edge = jnp.stack([loops, loops])
    ei = jnp.concatenate([edge_index, self_loop_edge], axis=1)
    row, col = ei[0], ei[1]
    deg = jnp.zeros((n_static,), dtype=jnp.float32).at[row].add(1.0)
    deg_inv_sqrt = jnp.where(deg > 0, deg ** -0.5, 0.0)
    edge_weight = deg_inv_sqrt[row] * deg_inv_sqrt[col]
    return ei, edge_weight


def _sparse_mm(ei, edge_weight, x, n_static):
    row, col = ei[0], ei[1]
    message = x[col] * edge_weight[:, None]
    return jnp.zeros((n_static, x.shape[1]), dtype=x.dtype).at[row].add(message)


def reference(x, edge_index, num_nodes, W1, b1, W2, b2):
    # eval mode: dropout is a no-op
    num_nodes = jnp.asarray(num_nodes)
    n_static = x.shape[0]
    ei, ew = _normalize_adj(edge_index, num_nodes, n_static)
    h = x @ W1.T + b1
    h = _sparse_mm(ei, ew, h, n_static)
    h = jax.nn.relu(h)
    h = h @ W2.T + b2
    out = _sparse_mm(ei, ew, h, n_static)
    return out

if __name__ == "__main__":
    import jax
    _d = setup_inputs()
    print(jax.jit(kernel)(*tuple(_d.values())))

</pallas_src>

<mosaic_0001>
#map = affine_map<(d0, d1) -> (0, 0)>
#map1 = affine_map<(d0, d1) -> (0)>
#map2 = affine_map<(d0, d1) -> (0, 0, 0)>
module attributes {stable_mosaic.version = 14 : i64} {
  func.func @agg_kernel(%arg0: i32, %arg1: i32, %arg2: memref<10000x128xf32, #tpu.memory_space<hbm>>, %arg3: memref<10000x128xf32, #tpu.memory_space<hbm>>, %arg4: memref<327680xi32, #tpu.memory_space<hbm>>, %arg5: memref<327680xi32, #tpu.memory_space<hbm>>, %arg6: memref<2x10000x128xf32, #tpu.memory_space<hbm>>, %arg7: memref<128xi32, #tpu.memory_space<vmem>>, %arg8: memref<128xi32, #tpu.memory_space<vmem>>, %arg9: memref<128xi32, #tpu.memory_space<vmem>>, %arg10: memref<128xi32, #tpu.memory_space<vmem>>, %arg11: memref<128x128xf32, #tpu.memory_space<vmem>>, %arg12: memref<128x128xf32, #tpu.memory_space<vmem>>, %arg13: memref<12048x128xf32, #tpu.memory_space<vmem_shared>>, %arg14: memref<!tpu.dma_semaphore, #tpu.memory_space<semaphore_mem>>, %arg15: memref<!tpu.dma_semaphore, #tpu.memory_space<semaphore_mem>>) attributes {dimension_semantics = [#tpu.dimension_semantics<core_parallel>, #tpu.dimension_semantics<subcore_parallel>], iteration_bounds = array<i64: 2, 16>, scalar_prefetch = 0 : i64, scratch_operands = 9 : i64, tpu.core_type = #tpu.core_type<sc_vector_subcore>, window_params = [{transform_indices = #map}, {transform_indices = #map}, {transform_indices = #map1}, {transform_indices = #map1}, {transform_indices = #map2}]} {
    %mul3A = arith.constant 16 : i32
    %mul3A_0 = arith.muli %arg0, %mul3A : i32
    %add3A = arith.addi %mul3A_0, %arg1 : i32
    %eq3A = arith.constant 0 : i32
    %eq3A_1 = arith.cmpi eq, %arg1, %eq3A : i32
    %eq3A_2 = arith.constant 0 : i32
    %eq3A_3 = arith.cmpi eq, %arg0, %eq3A_2 : i32
    %and3A = arith.andi %eq3A_1, %eq3A_3 : i1
    %convert_element_type3A = arith.extui %and3A : i1 to i32
    %cond3A = arith.constant 0 : i32
    %cond3A_4 = arith.cmpi ne, %convert_element_type3A, %cond3A : i32
    scf.if %cond3A_4 {
      "tpu.region"() ({
        %run_scoped3A = tpu.sem_alloc : memref<!tpu.dma_semaphore, #tpu.memory_space<semaphore_mem>>
        %dma_start3A_31 = arith.constant 0 : i32
        %dma_start3A_32 = arith.constant 0 : i32
        %dma_start3A_33 = tpu.memref_slice %arg13[%dma_start3A_31, %dma_start3A_32] : memref<12048x128xf32, #tpu.memory_space<vmem_shared>> -> memref<10000x128xf32, #tpu.memory_space<vmem_shared>>
        tpu.enqueue_dma source(%arg2 : memref<10000x128xf32, #tpu.memory_space<hbm>>) target(%dma_start3A_33 : memref<10000x128xf32, #tpu.memory_space<vmem_shared>>) target_semaphore(%run_scoped3A : memref<!tpu.dma_semaphore, #tpu.memory_space<semaphore_mem>>)
        %dma_wait3A = arith.constant 0 : i32
        %dma_wait3A_34 = arith.constant 0 : i32
        %dma_wait3A_35 = tpu.memref_slice %arg13[%dma_wait3A, %dma_wait3A_34] : memref<12048x128xf32, #tpu.memory_space<vmem_shared>> -> memref<10000x128xf32, #tpu.memory_space<vmem_shared>>
        tpu.wait_dma2 semaphore(%run_scoped3A : memref<!tpu.dma_semaphore, #tpu.memory_space<semaphore_mem>>) src(%arg2 : memref<10000x128xf32, #tpu.memory_space<hbm>>) dst(%dma_wait3A_35 : memref<10000x128xf32, #tpu.memory_space<vmem_shared>>)
        tpu.yield
      }) : () -> ()
    } else {
    }
    %eq3A_5 = arith.constant 0 : i32
    %eq3A_6 = arith.cmpi eq, %arg1, %eq3A_5 : i32
    %eq3A_7 = arith.constant 1 : i32
    %eq3A_8 = arith.cmpi eq, %arg0, %eq3A_7 : i32
    %and3A_9 = arith.andi %eq3A_6, %eq3A_8 : i1
    %convert_element_type3A_10 = arith.extui %and3A_9 : i1 to i32
    %cond3A_11 = arith.constant 0 : i32
    %cond3A_12 = arith.cmpi ne, %convert_element_type3A_10, %cond3A_11 : i32
    scf.if %cond3A_12 {
      "tpu.region"() ({
        %run_scoped3A = tpu.sem_alloc : memref<!tpu.dma_semaphore, #tpu.memory_space<semaphore_mem>>
        %dma_start3A_31 = arith.constant 0 : i32
        %dma_start3A_32 = arith.constant 0 : i32
        %dma_start3A_33 = tpu.memref_slice %arg13[%dma_start3A_31, %dma_start3A_32] : memref<12048x128xf32, #tpu.memory_space<vmem_shared>> -> memref<10000x128xf32, #tpu.memory_space<vmem_shared>>
        tpu.enqueue_dma source(%arg3 : memref<10000x128xf32, #tpu.memory_space<hbm>>) target(%dma_start3A_33 : memref<10000x128xf32, #tpu.memory_space<vmem_shared>>) target_semaphore(%run_scoped3A : memref<!tpu.dma_semaphore, #tpu.memory_space<semaphore_mem>>)
        %dma_wait3A = arith.constant 0 : i32
        %dma_wait3A_34 = arith.constant 0 : i32
        %dma_wait3A_35 = tpu.memref_slice %arg13[%dma_wait3A, %dma_wait3A_34] : memref<12048x128xf32, #tpu.memory_space<vmem_shared>> -> memref<10000x128xf32, #tpu.memory_space<vmem_shared>>
        tpu.wait_dma2 semaphore(%run_scoped3A : memref<!tpu.dma_semaphore, #tpu.memory_space<semaphore_mem>>) src(%arg3 : memref<10000x128xf32, #tpu.memory_space<hbm>>) dst(%dma_wait3A_35 : memref<10000x128xf32, #tpu.memory_space<vmem_shared>>)
        tpu.yield
      }) : () -> ()
    } else {
    }
    %barrier3A = arith.constant 0 : index
    tpu.barrier barrier_id(%barrier3A)
    %mul3A_13 = arith.constant 80 : i32
    %mul3A_14 = arith.muli %add3A, %mul3A_13 : i32
    %add3A_15 = arith.constant 0 : i32
    %add3A_16 = arith.addi %mul3A_14, %add3A_15 : i32
    %mul3A_17 = arith.constant 128 : i32
    %mul3A_18 = arith.muli %add3A_16, %mul3A_17 : i32
    "tpu.region"() ({
      %run_scoped3A = tpu.sem_alloc : memref<!tpu.dma_semaphore, #tpu.memory_space<semaphore_mem>>
      %dma_start3A_31 = tpu.memref_slice %arg4[%mul3A_18] : memref<327680xi32, #tpu.memory_space<hbm>> -> memref<128xi32, #tpu.memory_space<hbm>>
      %dma_start3A_32 = tpu.memref_slice %arg4[%mul3A_18] : memref<327680xi32, #tpu.memory_space<hbm>> -> memref<128xi32, #tpu.memory_space<hbm>>
      tpu.enqueue_dma source(%dma_start3A_32 : memref<128xi32, #tpu.memory_space<hbm>>) target(%arg7 : memref<128xi32, #tpu.memory_space<vmem>>) target_semaphore(%run_scoped3A : memref<!tpu.dma_semaphore, #tpu.memory_space<semaphore_mem>>)
      %dma_wait3A = tpu.memref_slice %arg4[%mul3A_18] : memref<327680xi32, #tpu.memory_space<hbm>> -> memref<128xi32, #tpu.memory_space<hbm>>
      %dma_wait3A_33 = tpu.memref_slice %arg4[%mul3A_18] : memref<327680xi32, #tpu.memory_space<hbm>> -> memref<128xi32, #tpu.memory_space<hbm>>
      tpu.wait_dma2 semaphore(%run_scoped3A : memref<!tpu.dma_semaphore, #tpu.memory_space<semaphore_mem>>) src(%dma_wait3A_33 : memref<128xi32, #tpu.memory_space<hbm>>) dst(%arg7 : memref<128xi32, #tpu.memory_space<vmem>>)
      tpu.yield
    }) : () -> ()
    "tpu.region"() ({
      %run_scoped3A = tpu.sem_alloc : memref<!tpu.dma_semaphore, #tpu.memory_space<semaphore_mem>>
      %dma_start3A_31 = tpu.memref_slice %arg5[%mul3A_18] : memref<327680xi32, #tpu.memory_space<hbm>> -> memref<128xi32, #tpu.memory_space<hbm>>
      %dma_start3A_32 = tpu.memref_slice %arg5[%mul3A_18] : memref<327680xi32, #tpu.memory_space<hbm>> -> memref<128xi32, #tpu.memory_space<hbm>>
      tpu.enqueue_dma source(%dma_start3A_32 : memref<128xi32, #tpu.memory_space<hbm>>) target(%arg8 : memref<128xi32, #tpu.memory_space<vmem>>) target_semaphore(%run_scoped3A : memref<!tpu.dma_semaphore, #tpu.memory_space<semaphore_mem>>)
      %dma_wait3A = tpu.memref_slice %arg5[%mul3A_18] : memref<327680xi32, #tpu.memory_space<hbm>> -> memref<128xi32, #tpu.memory_space<hbm>>
      %dma_wait3A_33 = tpu.memref_slice %arg5[%mul3A_18] : memref<327680xi32, #tpu.memory_space<hbm>> -> memref<128xi32, #tpu.memory_space<hbm>>
      tpu.wait_dma2 semaphore(%run_scoped3A : memref<!tpu.dma_semaphore, #tpu.memory_space<semaphore_mem>>) src(%dma_wait3A_33 : memref<128xi32, #tpu.memory_space<hbm>>) dst(%arg8 : memref<128xi32, #tpu.memory_space<vmem>>)
      tpu.yield
    }) : () -> ()
    %dma_start3A = arith.constant 0 : i32
    %dma_start3A_19 = arith.constant 0 : i32
    %dma_start3A_20 = tpu.memref_slice %arg2[%dma_start3A, %dma_start3A_19] : memref<10000x128xf32, #tpu.memory_space<hbm>> -> memref<10000x128xf32, #tpu.memory_space<hbm>>
    tpu.enqueue_indirect_dma source(%dma_start3A_20 : memref<10000x128xf32, #tpu.memory_space<hbm>>) target(%arg11 : memref<128x128xf32, #tpu.memory_space<vmem>>) offsets(%arg7 : memref<128xi32, #tpu.memory_space<vmem>>) semaphore(%arg14 : memref<!tpu.dma_semaphore, #tpu.memory_space<semaphore_mem>>)
    %scan3A = arith.constant 0 : i32
    %scan3A_21 = arith.constant 40 : i32
    %scan3A_22 = arith.addi %scan3A, %scan3A_21 : i32
    %scan3A_23 = arith.constant 1 : i32
    scf.for %scan3A_31 = %scan3A to %scan3A_22 step %scan3A_23  : i32 {
      %mul3A_32 = arith.constant 2 : i32
      %mul3A_33 = arith.muli %scan3A_31, %mul3A_32 : i32
      %add3A_34 = arith.constant 1 : i32
      %add3A_35 = arith.addi %mul3A_33, %add3A_34 : i32
      %mul3A_36 = arith.constant 80 : i32
      %mul3A_37 = arith.muli %add3A, %mul3A_36 : i32
      %add3A_38 = arith.addi %mul3A_37, %add3A_35 : i32
      %mul3A_39 = arith.constant 128 : i32
      %mul3A_40 = arith.muli %add3A_38, %mul3A_39 : i32
      "tpu.region"() ({
        %run_scoped3A = tpu.sem_alloc : memref<!tpu.dma_semaphore, #tpu.memory_space<semaphore_mem>>
        %dma_start3A_58 = tpu.memref_slice %arg4[%mul3A_40] : memref<327680xi32, #tpu.memory_space<hbm>> -> memref<128xi32, #tpu.memory_space<hbm>>
        %dma_start3A_59 = tpu.memref_slice %arg4[%mul3A_40] : memref<327680xi32, #tpu.memory_space<hbm>> -> memref<128xi32, #tpu.memory_space<hbm>>
        tpu.enqueue_dma source(%dma_start3A_59 : memref<128xi32, #tpu.memory_space<hbm>>) target(%arg9 : memref<128xi32, #tpu.memory_space<vmem>>) target_semaphore(%run_scoped3A : memref<!tpu.dma_semaphore, #tpu.memory_space<semaphore_mem>>)
        %dma_wait3A_60 = tpu.memref_slice %arg4[%mul3A_40] : memref<327680xi32, #tpu.memory_space<hbm>> -> memref<128xi32, #tpu.memory_space<hbm>>
        %dma_wait3A_61 = tpu.memref_slice %arg4[%mul3A_40] : memref<327680xi32, #tpu.memory_space<hbm>> -> memref<128xi32, #tpu.memory_space<hbm>>
        tpu.wait_dma2 semaphore(%run_scoped3A : memref<!tpu.dma_semaphore, #tpu.memory_space<semaphore_mem>>) src(%dma_wait3A_61 : memref<128xi32, #tpu.memory_space<hbm>>) dst(%arg9 : memref<128xi32, #tpu.memory_space<vmem>>)
        tpu.yield
      }) : () -> ()
      "tpu.region"() ({
        %run_scoped3A = tpu.sem_alloc : memref<!tpu.dma_semaphore, #tpu.memory_space<semaphore_mem>>
        %dma_start3A_58 = tpu.memref_slice %arg5[%mul3A_40] : memref<327680xi32, #tpu.memory_space<hbm>> -> memref<128xi32, #tpu.memory_space<hbm>>
        %dma_start3A_59 = tpu.memref_slice %arg5[%mul3A_40] : memref<327680xi32, #tpu.memory_space<hbm>> -> memref<128xi32, #tpu.memory_space<hbm>>
        tpu.enqueue_dma source(%dma_start3A_59 : memref<128xi32, #tpu.memory_space<hbm>>) target(%arg10 : memref<128xi32, #tpu.memory_space<vmem>>) target_semaphore(%run_scoped3A : memref<!tpu.dma_semaphore, #tpu.memory_space<semaphore_mem>>)
        %dma_wait3A_60 = tpu.memref_slice %arg5[%mul3A_40] : memref<327680xi32, #tpu.memory_space<hbm>> -> memref<128xi32, #tpu.memory_space<hbm>>
        %dma_wait3A_61 = tpu.memref_slice %arg5[%mul3A_40] : memref<327680xi32, #tpu.memory_space<hbm>> -> memref<128xi32, #tpu.memory_space<hbm>>
        tpu.wait_dma2 semaphore(%run_scoped3A : memref<!tpu.dma_semaphore, #tpu.memory_space<semaphore_mem>>) src(%dma_wait3A_61 : memref<128xi32, #tpu.memory_space<hbm>>) dst(%arg10 : memref<128xi32, #tpu.memory_space<vmem>>)
        tpu.yield
      }) : () -> ()
      %dma_wait3A = arith.constant 0 : i32
      %dma_wait3A_41 = arith.constant 0 : i32
      %dma_wait3A_42 = tpu.memref_slice %arg2[%dma_wait3A, %dma_wait3A_41] : memref<10000x128xf32, #tpu.memory_space<hbm>> -> memref<10000x128xf32, #tpu.memory_space<hbm>>
      tpu.wait_indirect_dma semaphore(%arg14 : memref<!tpu.dma_semaphore, #tpu.memory_space<semaphore_mem>>) src(%dma_wait3A_42 : memref<10000x128xf32, #tpu.memory_space<hbm>>) dst(%arg11 : memref<128x128xf32, #tpu.memory_space<vmem>>)
      %dma_start3A_43 = arith.constant 0 : i32
      %dma_start3A_44 = arith.constant 0 : i32
      %dma_start3A_45 = tpu.memref_slice %arg2[%dma_start3A_43, %dma_start3A_44] : memref<10000x128xf32, #tpu.memory_space<hbm>> -> memref<10000x128xf32, #tpu.memory_space<hbm>>
      tpu.enqueue_indirect_dma source(%dma_start3A_45 : memref<10000x128xf32, #tpu.memory_space<hbm>>) target(%arg12 : memref<128x128xf32, #tpu.memory_space<vmem>>) offsets(%arg9 : memref<128xi32, #tpu.memory_space<vmem>>) semaphore(%arg15 : memref<!tpu.dma_semaphore, #tpu.memory_space<semaphore_mem>>)
      "tpu.region"() ({
        %run_scoped3A = tpu.sem_alloc : memref<!tpu.dma_semaphore, #tpu.memory_space<semaphore_mem>>
        %dma_start3A_58 = arith.constant 0 : i32
        %dma_start3A_59 = arith.constant 0 : i32
        %dma_start3A_60 = tpu.memref_slice %arg13[%dma_start3A_58, %dma_start3A_59] : memref<12048x128xf32, #tpu.memory_space<vmem_shared>> -> memref<12048x128xf32, #tpu.memory_space<vmem_shared>>
        tpu.enqueue_indirect_dma source(%arg11 : memref<128x128xf32, #tpu.memory_space<vmem>>) target(%dma_start3A_60 : memref<12048x128xf32, #tpu.memory_space<vmem_shared>>) offsets(%arg8 : memref<128xi32, #tpu.memory_space<vmem>>) semaphore(%run_scoped3A : memref<!tpu.dma_semaphore, #tpu.memory_space<semaphore_mem>>) {add = true}
        %dma_wait3A_61 = arith.constant 0 : i32
        %dma_wait3A_62 = arith.constant 0 : i32
        %dma_wait3A_63 = tpu.memref_slice %arg13[%dma_wait3A_61, %dma_wait3A_62] : memref<12048x128xf32, #tpu.memory_space<vmem_shared>> -> memref<12048x128xf32, #tpu.memory_space<vmem_shared>>
        tpu.wait_indirect_dma semaphore(%run_scoped3A : memref<!tpu.dma_semaphore, #tpu.memory_space<semaphore_mem>>) src(%arg11 : memref<128x128xf32, #tpu.memory_space<vmem>>) dst(%dma_wait3A_63 : memref<12048x128xf32, #tpu.memory_space<vmem_shared>>)
        tpu.yield
      }) : () -> ()
      %lt3A = arith.constant 39 : i32
      %lt3A_46 = arith.cmpi slt, %scan3A_31, %lt3A : i32
      %convert_element_type3A_47 = arith.extui %lt3A_46 : i1 to i32
      %cond3A_48 = arith.constant 0 : i32
      %cond3A_49 = arith.cmpi ne, %convert_element_type3A_47, %cond3A_48 : i32
      scf.if %cond3A_49 {
        %add3A_58 = arith.constant 2 : i32
        %add3A_59 = arith.addi %mul3A_33, %add3A_58 : i32
        %mul3A_60 = arith.constant 80 : i32
        %mul3A_61 = arith.muli %add3A, %mul3A_60 : i32
        %add3A_62 = arith.addi %mul3A_61, %add3A_59 : i32
        %mul3A_63 = arith.constant 128 : i32
        %mul3A_64 = arith.muli %add3A_62, %mul3A_63 : i32
        "tpu.region"() ({
          %run_scoped3A = tpu.sem_alloc : memref<!tpu.dma_semaphore, #tpu.memory_space<semaphore_mem>>
          %dma_start3A_65 = tpu.memref_slice %arg4[%mul3A_64] : memref<327680xi32, #tpu.memory_space<hbm>> -> memref<128xi32, #tpu.memory_space<hbm>>
          %dma_start3A_66 = tpu.memref_slice %arg4[%mul3A_64] : memref<327680xi32, #tpu.memory_space<hbm>> -> memref<128xi32, #tpu.memory_space<hbm>>
          tpu.enqueue_dma source(%dma_start3A_66 : memref<128xi32, #tpu.memory_space<hbm>>) target(%arg7 : memref<128xi32, #tpu.memory_space<vmem>>) target_semaphore(%run_scoped3A : memref<!tpu.dma_semaphore, #tpu.memory_space<semaphore_mem>>)
          %dma_wait3A_67 = tpu.memref_slice %arg4[%mul3A_64] : memref<327680xi32, #tpu.memory_space<hbm>> -> memref<128xi32, #tpu.memory_space<hbm>>
          %dma_wait3A_68 = tpu.memref_slice %arg4[%mul3A_64] : memref<327680xi32, #tpu.memory_space<hbm>> -> memref<128xi32, #tpu.memory_space<hbm>>
          tpu.wait_dma2 semaphore(%run_scoped3A : memref<!tpu.dma_semaphore, #tpu.memory_space<semaphore_mem>>) src(%dma_wait3A_68 : memref<128xi32, #tpu.memory_space<hbm>>) dst(%arg7 : memref<128xi32, #tpu.memory_space<vmem>>)
          tpu.yield
        }) : () -> ()
        "tpu.region"() ({
          %run_scoped3A = tpu.sem_alloc : memref<!tpu.dma_semaphore, #tpu.memory_space<semaphore_mem>>
          %dma_start3A_65 = tpu.memref_slice %arg5[%mul3A_64] : memref<327680xi32, #tpu.memory_space<hbm>> -> memref<128xi32, #tpu.memory_space<hbm>>
          %dma_start3A_66 = tpu.memref_slice %arg5[%mul3A_64] : memref<327680xi32, #tpu.memory_space<hbm>> -> memref<128xi32, #tpu.memory_space<hbm>>
          tpu.enqueue_dma source(%dma_start3A_66 : memref<128xi32, #tpu.memory_space<hbm>>) target(%arg8 : memref<128xi32, #tpu.memory_space<vmem>>) target_semaphore(%run_scoped3A : memref<!tpu.dma_semaphore, #tpu.memory_space<semaphore_mem>>)
          %dma_wait3A_67 = tpu.memref_slice %arg5[%mul3A_64] : memref<327680xi32, #tpu.memory_space<hbm>> -> memref<128xi32, #tpu.memory_space<hbm>>
          %dma_wait3A_68 = tpu.memref_slice %arg5[%mul3A_64] : memref<327680xi32, #tpu.memory_space<hbm>> -> memref<128xi32, #tpu.memory_space<hbm>>
          tpu.wait_dma2 semaphore(%run_scoped3A : memref<!tpu.dma_semaphore, #tpu.memory_space<semaphore_mem>>) src(%dma_wait3A_68 : memref<128xi32, #tpu.memory_space<hbm>>) dst(%arg8 : memref<128xi32, #tpu.memory_space<vmem>>)
          tpu.yield
        }) : () -> ()
      } else {
      }
      %dma_wait3A_50 = arith.constant 0 : i32
      %dma_wait3A_51 = arith.constant 0 : i32
      %dma_wait3A_52 = tpu.memref_slice %arg2[%dma_wait3A_50, %dma_wait3A_51] : memref<10000x128xf32, #tpu.memory_space<hbm>> -> memref<10000x128xf32, #tpu.memory_space<hbm>>
      tpu.wait_indirect_dma semaphore(%arg15 : memref<!tpu.dma_semaphore, #tpu.memory_space<semaphore_mem>>) src(%dma_wait3A_52 : memref<10000x128xf32, #tpu.memory_space<hbm>>) dst(%arg12 : memref<128x128xf32, #tpu.memory_space<vmem>>)
      %lt3A_53 = arith.constant 39 : i32
      %lt3A_54 = arith.cmpi slt, %scan3A_31, %lt3A_53 : i32
      %convert_element_type3A_55 = arith.extui %lt3A_54 : i1 to i32
      %cond3A_56 = arith.constant 0 : i32
      %cond3A_57 = arith.cmpi ne, %convert_element_type3A_55, %cond3A_56 : i32
      scf.if %cond3A_57 {
        %dma_start3A_58 = arith.constant 0 : i32
        %dma_start3A_59 = arith.constant 0 : i32
        %dma_start3A_60 = tpu.memref_slice %arg2[%dma_start3A_58, %dma_start3A_59] : memref<10000x128xf32, #tpu.memory_space<hbm>> -> memref<10000x128xf32, #tpu.memory_space<hbm>>
        tpu.enqueue_indirect_dma source(%dma_start3A_60 : memref<10000x128xf32, #tpu.memory_space<hbm>>) target(%arg11 : memref<128x128xf32, #tpu.memory_space<vmem>>) offsets(%arg7 : memref<128xi32, #tpu.memory_space<vmem>>) semaphore(%arg14 : memref<!tpu.dma_semaphore, #tpu.memory_space<semaphore_mem>>)
      } else {
      }
      "tpu.region"() ({
        %run_scoped3A = tpu.sem_alloc : memref<!tpu.dma_semaphore, #tpu.memory_space<semaphore_mem>>
        %dma_start3A_58 = arith.constant 0 : i32
        %dma_start3A_59 = arith.constant 0 : i32
        %dma_start3A_60 = tpu.memref_slice %arg13[%dma_start3A_58, %dma_start3A_59] : memref<12048x128xf32, #tpu.memory_space<vmem_shared>> -> memref<12048x128xf32, #tpu.memory_space<vmem_shared>>
        tpu.enqueue_indirect_dma source(%arg12 : memref<128x128xf32, #tpu.memory_space<vmem>>) target(%dma_start3A_60 : memref<12048x128xf32, #tpu.memory_space<vmem_shared>>) offsets(%arg10 : memref<128xi32, #tpu.memory_space<vmem>>) semaphore(%run_scoped3A : memref<!tpu.dma_semaphore, #tpu.memory_space<semaphore_mem>>) {add = true}
        %dma_wait3A_61 = arith.constant 0 : i32
        %dma_wait3A_62 = arith.constant 0 : i32
        %dma_wait3A_63 = tpu.memref_slice %arg13[%dma_wait3A_61, %dma_wait3A_62] : memref<12048x128xf32, #tpu.memory_space<vmem_shared>> -> memref<12048x128xf32, #tpu.memory_space<vmem_shared>>
        tpu.wait_indirect_dma semaphore(%run_scoped3A : memref<!tpu.dma_semaphore, #tpu.memory_space<semaphore_mem>>) src(%arg12 : memref<128x128xf32, #tpu.memory_space<vmem>>) dst(%dma_wait3A_63 : memref<12048x128xf32, #tpu.memory_space<vmem_shared>>)
        tpu.yield
      }) : () -> ()
    }
    %scan3A_24 = arith.constant 40 : i32
    %barrier3A_25 = arith.constant 0 : index
    tpu.barrier barrier_id(%barrier3A_25)
    %eq3A_26 = arith.constant 0 : i32
    %eq3A_27 = arith.cmpi eq, %arg1, %eq3A_26 : i32
    %convert_element_type3A_28 = arith.extui %eq3A_27 : i1 to i32
    %cond3A_29 = arith.constant 0 : i32
    %cond3A_30 = arith.cmpi ne, %convert_element_type3A_28, %cond3A_29 : i32
    scf.if %cond3A_30 {
      "tpu.region"() ({
        %run_scoped3A = tpu.sem_alloc : memref<!tpu.dma_semaphore, #tpu.memory_space<semaphore_mem>>
        %dma_start3A_31 = arith.constant 0 : i32
        %dma_start3A_32 = arith.constant 0 : i32
        %dma_start3A_33 = tpu.memref_slice %arg6[%arg0, %dma_start3A_31, %dma_start3A_32] : memref<2x10000x128xf32, #tpu.memory_space<hbm>> -> memref<1x10000x128xf32, #tpu.memory_space<hbm>>
        %dma_start3A_34 = tpu.memref_squeeze %dma_start3A_33 : memref<1x10000x128xf32, #tpu.memory_space<hbm>> -> memref<10000x128xf32, #tpu.memory_space<hbm>>
        %dma_start3A_35 = arith.constant 0 : i32
        %dma_start3A_36 = arith.constant 0 : i32
        %dma_start3A_37 = tpu.memref_slice %arg13[%dma_start3A_35, %dma_start3A_36] : memref<12048x128xf32, #tpu.memory_space<vmem_shared>> -> memref<10000x128xf32, #tpu.memory_space<vmem_shared>>
        tpu.enqueue_dma source(%dma_start3A_37 : memref<10000x128xf32, #tpu.memory_space<vmem_shared>>) target(%dma_start3A_34 : memref<10000x128xf32, #tpu.memory_space<hbm>>) target_semaphore(%run_scoped3A : memref<!tpu.dma_semaphore, #tpu.memory_space<semaphore_mem>>)
        %dma_wait3A = arith.constant 0 : i32
        %dma_wait3A_38 = arith.constant 0 : i32
        %dma_wait3A_39 = tpu.memref_slice %arg6[%arg0, %dma_wait3A, %dma_wait3A_38] : memref<2x10000x128xf32, #tpu.memory_space<hbm>> -> memref<1x10000x128xf32, #tpu.memory_space<hbm>>
        %dma_wait3A_40 = tpu.memref_squeeze %dma_wait3A_39 : memref<1x10000x128xf32, #tpu.memory_space<hbm>> -> memref<10000x128xf32, #tpu.memory_space<hbm>>
        %dma_wait3A_41 = arith.constant 0 : i32
        %dma_wait3A_42 = arith.constant 0 : i32
        %dma_wait3A_43 = tpu.memref_slice %arg13[%dma_wait3A_41, %dma_wait3A_42] : memref<12048x128xf32, #tpu.memory_space<vmem_shared>> -> memref<10000x128xf32, #tpu.memory_space<vmem_shared>>
        tpu.wait_dma2 semaphore(%run_scoped3A : memref<!tpu.dma_semaphore, #tpu.memory_space<semaphore_mem>>) src(%dma_wait3A_43 : memref<10000x128xf32, #tpu.memory_space<vmem_shared>>) dst(%dma_wait3A_40 : memref<10000x128xf32, #tpu.memory_space<hbm>>)
        tpu.yield
      }) : () -> ()
    } else {
    }
    return
  }
}

#map = affine_map<(d0, d1) -> (0)>
#map1 = affine_map<(d0, d1) -> (0, 0)>
#map2 = affine_map<(d0, d1) -> (0, 0, 0)>
module attributes {stable_mosaic.version = 14 : i64} {
  func.func @deg_kernel(%arg0: i32, %arg1: i32, %arg2: memref<327680xi32, #tpu.memory_space<hbm>>, %arg3: memref<10000x128xf32, #tpu.memory_space<hbm>>, %arg4: memref<2x96x128xf32, #tpu.memory_space<hbm>>, %arg5: memref<10240xi32, #tpu.memory_space<vmem>>, %arg6: memref<96x128xf32, #tpu.memory_space<vmem>>, %arg7: memref<96xi32, #tpu.memory_space<vmem>>, %arg8: memref<96x128xf32, #tpu.memory_space<vmem_shared>>) attributes {dimension_semantics = [#tpu.dimension_semantics<core_parallel>, #tpu.dimension_semantics<subcore_parallel>], iteration_bounds = array<i64: 2, 16>, scalar_prefetch = 0 : i64, scratch_operands = 4 : i64, tpu.core_type = #tpu.core_type<sc_vector_subcore>, window_params = [{transform_indices = #map}, {transform_indices = #map1}, {transform_indices = #map2}]} {
    %mul3A = arith.constant 16 : i32
    %mul3A_0 = arith.muli %arg0, %mul3A : i32
    %add3A = arith.addi %mul3A_0, %arg1 : i32
    %eq3A = arith.constant 0 : i32
    %eq3A_1 = arith.cmpi eq, %arg1, %eq3A : i32
    %convert_element_type3A = arith.extui %eq3A_1 : i1 to i32
    %cond3A = arith.constant 0 : i32
    %cond3A_2 = arith.cmpi ne, %convert_element_type3A, %cond3A : i32
    scf.if %cond3A_2 {
      "tpu.region"() ({
        %run_scoped3A = tpu.sem_alloc : memref<!tpu.dma_semaphore, #tpu.memory_space<semaphore_mem>>
        %dma_start3A = arith.constant 0 : i32
        %dma_start3A_26 = arith.constant 0 : i32
        %dma_start3A_27 = tpu.memref_slice %arg3[%dma_start3A, %dma_start3A_26] : memref<10000x128xf32, #tpu.memory_space<hbm>> -> memref<96x128xf32, #tpu.memory_space<hbm>>
        tpu.enqueue_dma source(%dma_start3A_27 : memref<96x128xf32, #tpu.memory_space<hbm>>) target(%arg8 : memref<96x128xf32, #tpu.memory_space<vmem_shared>>) target_semaphore(%run_scoped3A : memref<!tpu.dma_semaphore, #tpu.memory_space<semaphore_mem>>)
        %dma_wait3A = arith.constant 0 : i32
        %dma_wait3A_28 = arith.constant 0 : i32
        %dma_wait3A_29 = tpu.memref_slice %arg3[%dma_wait3A, %dma_wait3A_28] : memref<10000x128xf32, #tpu.memory_space<hbm>> -> memref<96x128xf32, #tpu.memory_space<hbm>>
        tpu.wait_dma2 semaphore(%run_scoped3A : memref<!tpu.dma_semaphore, #tpu.memory_space<semaphore_mem>>) src(%dma_wait3A_29 : memref<96x128xf32, #tpu.memory_space<hbm>>) dst(%arg8 : memref<96x128xf32, #tpu.memory_space<vmem_shared>>)
        tpu.yield
      }) : () -> ()
    } else {
    }
    %scan3A = arith.constant 0 : i32
    %scan3A_3 = arith.constant 96 : i32
    %scan3A_4 = arith.addi %scan3A, %scan3A_3 : i32
    %scan3A_5 = arith.constant 1 : i32
    scf.for %scan3A_26 = %scan3A to %scan3A_4 step %scan3A_5  : i32 {
      %scan3A_27 = arith.constant 0 : i32
      %scan3A_28 = arith.constant 8 : i32
      %scan3A_29 = arith.addi %scan3A_27, %scan3A_28 : i32
      %scan3A_30 = arith.constant 1 : i32
      scf.for %scan3A_32 = %scan3A_27 to %scan3A_29 step %scan3A_30  : i32 {
        %broadcast_in_dim3A_33 = arith.constant 0.000000e+00 : f32
        %broadcast_in_dim3A_34 = vector.broadcast %broadcast_in_dim3A_33 : f32 to vector<16xf32>
        %mul3A_35 = arith.constant 16 : i32
        %mul3A_36 = arith.muli %scan3A_32, %mul3A_35 : i32
        %swap3A = arith.index_cast %scan3A_26 : i32 to index
        %swap3A_37 = arith.index_cast %mul3A_36 : i32 to index
        %swap3A_38 = tpu.vector_load %arg6[%swap3A, %swap3A_37] {strides = array<i32>} : memref<96x128xf32, #tpu.memory_space<vmem>>, vector<16xf32>,
        tpu.vector_store %arg6[%swap3A, %swap3A_37], %broadcast_in_dim3A_34 {strides = array<i32>} : memref<96x128xf32, #tpu.memory_space<vmem>>, vector<16xf32>,
      }
      %scan3A_31 = arith.constant 8 : i32
    }
    %scan3A_6 = arith.constant 96 : i32
    %scan3A_7 = arith.constant 0 : i32
    %scan3A_8 = arith.constant 6 : i32
    %scan3A_9 = arith.addi %scan3A_7, %scan3A_8 : i32
    %scan3A_10 = arith.constant 1 : i32
    scf.for %scan3A_26 = %scan3A_7 to %scan3A_9 step %scan3A_10  : i32 {
      %iota3A = tpu.iota {dimensions = array<i32: 0>} : vector<16xi32>
      %mul3A_27 = arith.constant 16 : i32
      %mul3A_28 = arith.muli %scan3A_26, %mul3A_27 : i32
      %add3A_29 = vector.broadcast %mul3A_28 : i32 to vector<16xi32>
      %add3A_30 = arith.addi %iota3A, %add3A_29 : vector<16xi32>
      %mul3A_31 = arith.constant 16 : i32
      %mul3A_32 = arith.muli %scan3A_26, %mul3A_31 : i32
      %swap3A = arith.index_cast %mul3A_32 : i32 to index
      %swap3A_33 = tpu.vector_load %arg7[%swap3A] {strides = array<i32>} : memref<96xi32, #tpu.memory_space<vmem>>, vector<16xi32>,
      tpu.vector_store %arg7[%swap3A], %add3A_30 {strides = array<i32>} : memref<96xi32, #tpu.memory_space<vmem>>, vector<16xi32>,
    }
    %scan3A_11 = arith.constant 6 : i32
    %mul3A_12 = arith.constant 10240 : i32
    %mul3A_13 = arith.muli %add3A, %mul3A_12 : i32
    "tpu.region"() ({
      %run_scoped3A = tpu.sem_alloc : memref<!tpu.dma_semaphore, #tpu.memory_space<semaphore_mem>>
      %dma_start3A = tpu.memref_slice %arg2[%mul3A_13] : memref<327680xi32, #tpu.memory_space<hbm>> -> memref<10240xi32, #tpu.memory_space<hbm>>
      %dma_start3A_26 = tpu.memref_slice %arg2[%mul3A_13] : memref<327680xi32, #tpu.memory_space<hbm>> -> memref<10240xi32, #tpu.memory_space<hbm>>
      tpu.enqueue_dma source(%dma_start3A_26 : memref<10240xi32, #tpu.memory_space<hbm>>) target(%arg5 : memref<10240xi32, #tpu.memory_space<vmem>>) target_semaphore(%run_scoped3A : memref<!tpu.dma_semaphore, #tpu.memory_space<semaphore_mem>>)
      %dma_wait3A = tpu.memref_slice %arg2[%mul3A_13] : memref<327680xi32, #tpu.memory_space<hbm>> -> memref<10240xi32, #tpu.memory_space<hbm>>
      %dma_wait3A_27 = tpu.memref_slice %arg2[%mul3A_13] : memref<327680xi32, #tpu.memory_space<hbm>> -> memref<10240xi32, #tpu.memory_space<hbm>>
      tpu.wait_dma2 semaphore(%run_scoped3A : memref<!tpu.dma_semaphore, #tpu.memory_space<semaphore_mem>>) src(%dma_wait3A_27 : memref<10240xi32, #tpu.memory_space<hbm>>) dst(%arg5 : memref<10240xi32, #tpu.memory_space<vmem>>)
      tpu.yield
    }) : () -> ()
    %broadcast_in_dim3A = arith.constant 1.000000e+00 : f32
    %broadcast_in_dim3A_14 = vector.broadcast %broadcast_in_dim3A : f32 to vector<16xf32>
    %scan3A_15 = arith.constant 0 : i32
    %scan3A_16 = arith.constant 640 : i32
    %scan3A_17 = arith.addi %scan3A_15, %scan3A_16 : i32
    %scan3A_18 = arith.constant 1 : i32
    scf.for %scan3A_26 = %scan3A_15 to %scan3A_17 step %scan3A_18  : i32 {
      %mul3A_27 = arith.constant 16 : i32
      %mul3A_28 = arith.muli %scan3A_26, %mul3A_27 : i32
      %get3A = arith.index_cast %mul3A_28 : i32 to index
      %get3A_29 = tpu.vector_load %arg5[%get3A] {strides = array<i32>} : memref<10240xi32, #tpu.memory_space<vmem>>, vector<16xi32>,
      %shift_right_logical3A = arith.constant 7 : i32
      %shift_right_logical3A_30 = vector.broadcast %shift_right_logical3A : i32 to vector<16xi32>
      %shift_right_logical3A_31 = arith.shrui %get3A_29, %shift_right_logical3A_30 : vector<16xi32>
      %and3A = arith.constant 127 : i32
      %and3A_32 = vector.broadcast %and3A : i32 to vector<16xi32>
      %and3A_33 = arith.andi %get3A_29, %and3A_32 : vector<16xi32>
      tpu.vector_store_idx %arg6[%shift_right_logical3A_31, %and3A_33], %broadcast_in_dim3A_14 {add = true} : memref<96x128xf32, #tpu.memory_space<vmem>>[vector<16xi32>, vector<16xi32>], vector<16xf32>,
    }
    %scan3A_19 = arith.constant 640 : i32
    %barrier3A = arith.constant 0 : index
    tpu.barrier barrier_id(%barrier3A)
    "tpu.region"() ({
      %run_scoped3A = tpu.sem_alloc : memref<!tpu.dma_semaphore, #tpu.memory_space<semaphore_mem>>
      %dma_start3A = arith.constant 0 : i32
      %dma_start3A_26 = arith.constant 0 : i32
      %dma_start3A_27 = tpu.memref_slice %arg8[%dma_start3A, %dma_start3A_26] : memref<96x128xf32, #tpu.memory_space<vmem_shared>> -> memref<96x128xf32, #tpu.memory_space<vmem_shared>>
      tpu.enqueue_indirect_dma source(%arg6 : memref<96x128xf32, #tpu.memory_space<vmem>>) target(%dma_start3A_27 : memref<96x128xf32, #tpu.memory_space<vmem_shared>>) offsets(%arg7 : memref<96xi32, #tpu.memory_space<vmem>>) semaphore(%run_scoped3A : memref<!tpu.dma_semaphore, #tpu.memory_space<semaphore_mem>>) {add = true}
      %dma_wait3A = arith.constant 0 : i32
      %dma_wait3A_28 = arith.constant 0 : i32
      %dma_wait3A_29 = tpu.memref_slice %arg8[%dma_wait3A, %dma_wait3A_28] : memref<96x128xf32, #tpu.memory_space<vmem_shared>> -> memref<96x128xf32, #tpu.memory_space<vmem_shared>>
      tpu.wait_indirect_dma semaphore(%run_scoped3A : memref<!tpu.dma_semaphore, #tpu.memory_space<semaphore_mem>>) src(%arg6 : memref<96x128xf32, #tpu.memory_space<vmem>>) dst(%dma_wait3A_29 : memref<96x128xf32, #tpu.memory_space<vmem_shared>>)
      tpu.yield
    }) : () -> ()
    %barrier3A_20 = arith.constant 0 : index
    tpu.barrier barrier_id(%barrier3A_20)
    %eq3A_21 = arith.constant 0 : i32
    %eq3A_22 = arith.cmpi eq, %arg1, %eq3A_21 : i32
    %convert_element_type3A_23 = arith.extui %eq3A_22 : i1 to i32
    %cond3A_24 = arith.constant 0 : i32
    %cond3A_25 = arith.cmpi ne, %convert_element_type3A_23, %cond3A_24 : i32
    scf.if %cond3A_25 {
      "tpu.region"() ({
        %run_scoped3A = tpu.sem_alloc : memref<!tpu.dma_semaphore, #tpu.memory_space<semaphore_mem>>
        %dma_start3A = arith.constant 0 : i32
        %dma_start3A_26 = arith.constant 0 : i32
        %dma_start3A_27 = tpu.memref_slice %arg4[%arg0, %dma_start3A, %dma_start3A_26] : memref<2x96x128xf32, #tpu.memory_space<hbm>> -> memref<1x96x128xf32, #tpu.memory_space<hbm>>
        %dma_start3A_28 = tpu.memref_squeeze %dma_start3A_27 : memref<1x96x128xf32, #tpu.memory_space<hbm>> -> memref<96x128xf32, #tpu.memory_space<hbm>>
        tpu.enqueue_dma source(%arg8 : memref<96x128xf32, #tpu.memory_space<vmem_shared>>) target(%dma_start3A_28 : memref<96x128xf32, #tpu.memory_space<hbm>>) target_semaphore(%run_scoped3A : memref<!tpu.dma_semaphore, #tpu.memory_space<semaphore_mem>>)
        %dma_wait3A = arith.constant 0 : i32
        %dma_wait3A_29 = arith.constant 0 : i32
        %dma_wait3A_30 = tpu.memref_slice %arg4[%arg0, %dma_wait3A, %dma_wait3A_29] : memref<2x96x128xf32, #tpu.memory_space<hbm>> -> memref<1x96x128xf32, #tpu.memory_space<hbm>>
        %dma_wait3A_31 = tpu.memref_squeeze %dma_wait3A_30 : memref<1x96x128xf32, #tpu.memory_space<hbm>> -> memref<96x128xf32, #tpu.memory_space<hbm>>
        tpu.wait_dma2 semaphore(%run_scoped3A : memref<!tpu.dma_semaphore, #tpu.memory_space<semaphore_mem>>) src(%arg8 : memref<96x128xf32, #tpu.memory_space<vmem_shared>>) dst(%dma_wait3A_31 : memref<96x128xf32, #tpu.memory_space<hbm>>)
        tpu.yield
      }) : () -> ()
    } else {
    }
    return
  }
}

#map = affine_map<(d0, d1) -> (0, 0)>
#map1 = affine_map<(d0, d1) -> (0)>
#map2 = affine_map<(d0, d1) -> (0, 0, 0)>
module attributes {stable_mosaic.version = 14 : i64} {
  func.func @agg_kernel(%arg0: i32, %arg1: i32, %arg2: memref<10000x128xf32, #tpu.memory_space<hbm>>, %arg3: memref<10000x128xf32, #tpu.memory_space<hbm>>, %arg4: memref<327680xi32, #tpu.memory_space<hbm>>, %arg5: memref<327680xi32, #tpu.memory_space<hbm>>, %arg6: memref<2x10000x128xf32, #tpu.memory_space<hbm>>, %arg7: memref<128xi32, #tpu.memory_space<vmem>>, %arg8: memref<128xi32, #tpu.memory_space<vmem>>, %arg9: memref<128xi32, #tpu.memory_space<vmem>>, %arg10: memref<128xi32, #tpu.memory_space<vmem>>, %arg11: memref<128x128xf32, #tpu.memory_space<vmem>>, %arg12: memref<128x128xf32, #tpu.memory_space<vmem>>, %arg13: memref<12048x128xf32, #tpu.memory_space<vmem_shared>>, %arg14: memref<!tpu.dma_semaphore, #tpu.memory_space<semaphore_mem>>, %arg15: memref<!tpu.dma_semaphore, #tpu.memory_space<semaphore_mem>>) attributes {dimension_semantics = [#tpu.dimension_semantics<core_parallel>, #tpu.dimension_semantics<subcore_parallel>], iteration_bounds = array<i64: 2, 16>, scalar_prefetch = 0 : i64, scratch_operands = 9 : i64, tpu.core_type = #tpu.core_type<sc_vector_subcore>, window_params = [{transform_indices = #map}, {transform_indices = #map}, {transform_indices = #map1}, {transform_indices = #map1}, {transform_indices = #map2}]} {
    %mul3A = arith.constant 16 : i32
    %mul3A_0 = arith.muli %arg0, %mul3A : i32
    %add3A = arith.addi %mul3A_0, %arg1 : i32
    %eq3A = arith.constant 0 : i32
    %eq3A_1 = arith.cmpi eq, %arg1, %eq3A : i32
    %eq3A_2 = arith.constant 0 : i32
    %eq3A_3 = arith.cmpi eq, %arg0, %eq3A_2 : i32
    %and3A = arith.andi %eq3A_1, %eq3A_3 : i1
    %convert_element_type3A = arith.extui %and3A : i1 to i32
    %cond3A = arith.constant 0 : i32
    %cond3A_4 = arith.cmpi ne, %convert_element_type3A, %cond3A : i32
    scf.if %cond3A_4 {
      "tpu.region"() ({
        %run_scoped3A = tpu.sem_alloc : memref<!tpu.dma_semaphore, #tpu.memory_space<semaphore_mem>>
        %dma_start3A_31 = arith.constant 0 : i32
        %dma_start3A_32 = arith.constant 0 : i32
        %dma_start3A_33 = tpu.memref_slice %arg13[%dma_start3A_31, %dma_start3A_32] : memref<12048x128xf32, #tpu.memory_space<vmem_shared>> -> memref<10000x128xf32, #tpu.memory_space<vmem_shared>>
        tpu.enqueue_dma source(%arg2 : memref<10000x128xf32, #tpu.memory_space<hbm>>) target(%dma_start3A_33 : memref<10000x128xf32, #tpu.memory_space<vmem_shared>>) target_semaphore(%run_scoped3A : memref<!tpu.dma_semaphore, #tpu.memory_space<semaphore_mem>>)
        %dma_wait3A = arith.constant 0 : i32
        %dma_wait3A_34 = arith.constant 0 : i32
        %dma_wait3A_35 = tpu.memref_slice %arg13[%dma_wait3A, %dma_wait3A_34] : memref<12048x128xf32, #tpu.memory_space<vmem_shared>> -> memref<10000x128xf32, #tpu.memory_space<vmem_shared>>
        tpu.wait_dma2 semaphore(%run_scoped3A : memref<!tpu.dma_semaphore, #tpu.memory_space<semaphore_mem>>) src(%arg2 : memref<10000x128xf32, #tpu.memory_space<hbm>>) dst(%dma_wait3A_35 : memref<10000x128xf32, #tpu.memory_space<vmem_shared>>)
        tpu.yield
      }) : () -> ()
    } else {
    }
    %eq3A_5 = arith.constant 0 : i32
    %eq3A_6 = arith.cmpi eq, %arg1, %eq3A_5 : i32
    %eq3A_7 = arith.constant 1 : i32
    %eq3A_8 = arith.cmpi eq, %arg0, %eq3A_7 : i32
    %and3A_9 = arith.andi %eq3A_6, %eq3A_8 : i1
    %convert_element_type3A_10 = arith.extui %and3A_9 : i1 to i32
    %cond3A_11 = arith.constant 0 : i32
    %cond3A_12 = arith.cmpi ne, %convert_element_type3A_10, %cond3A_11 : i32
    scf.if %cond3A_12 {
      "tpu.region"() ({
        %run_scoped3A = tpu.sem_alloc : memref<!tpu.dma_semaphore, #tpu.memory_space<semaphore_mem>>
        %dma_start3A_31 = arith.constant 0 : i32
        %dma_start3A_32 = arith.constant 0 : i32
        %dma_start3A_33 = tpu.memref_slice %arg13[%dma_start3A_31, %dma_start3A_32] : memref<12048x128xf32, #tpu.memory_space<vmem_shared>> -> memref<10000x128xf32, #tpu.memory_space<vmem_shared>>
        tpu.enqueue_dma source(%arg3 : memref<10000x128xf32, #tpu.memory_space<hbm>>) target(%dma_start3A_33 : memref<10000x128xf32, #tpu.memory_space<vmem_shared>>) target_semaphore(%run_scoped3A : memref<!tpu.dma_semaphore, #tpu.memory_space<semaphore_mem>>)
        %dma_wait3A = arith.constant 0 : i32
        %dma_wait3A_34 = arith.constant 0 : i32
        %dma_wait3A_35 = tpu.memref_slice %arg13[%dma_wait3A, %dma_wait3A_34] : memref<12048x128xf32, #tpu.memory_space<vmem_shared>> -> memref<10000x128xf32, #tpu.memory_space<vmem_shared>>
        tpu.wait_dma2 semaphore(%run_scoped3A : memref<!tpu.dma_semaphore, #tpu.memory_space<semaphore_mem>>) src(%arg3 : memref<10000x128xf32, #tpu.memory_space<hbm>>) dst(%dma_wait3A_35 : memref<10000x128xf32, #tpu.memory_space<vmem_shared>>)
        tpu.yield
      }) : () -> ()
    } else {
    }
    %barrier3A = arith.constant 0 : index
    tpu.barrier barrier_id(%barrier3A)
    %mul3A_13 = arith.constant 80 : i32
    %mul3A_14 = arith.muli %add3A, %mul3A_13 : i32
    %add3A_15 = arith.constant 0 : i32
    %add3A_16 = arith.addi %mul3A_14, %add3A_15 : i32
    %mul3A_17 = arith.constant 128 : i32
    %mul3A_18 = arith.muli %add3A_16, %mul3A_17 : i32
    "tpu.region"() ({
      %run_scoped3A = tpu.sem_alloc : memref<!tpu.dma_semaphore, #tpu.memory_space<semaphore_mem>>
      %dma_start3A_31 = tpu.memref_slice %arg4[%mul3A_18] : memref<327680xi32, #tpu.memory_space<hbm>> -> memref<128xi32, #tpu.memory_space<hbm>>
      %dma_start3A_32 = tpu.memref_slice %arg4[%mul3A_18] : memref<327680xi32, #tpu.memory_space<hbm>> -> memref<128xi32, #tpu.memory_space<hbm>>
      tpu.enqueue_dma source(%dma_start3A_32 : memref<128xi32, #tpu.memory_space<hbm>>) target(%arg7 : memref<128xi32, #tpu.memory_space<vmem>>) target_semaphore(%run_scoped3A : memref<!tpu.dma_semaphore, #tpu.memory_space<semaphore_mem>>)
      %dma_wait3A = tpu.memref_slice %arg4[%mul3A_18] : memref<327680xi32, #tpu.memory_space<hbm>> -> memref<128xi32, #tpu.memory_space<hbm>>
      %dma_wait3A_33 = tpu.memref_slice %arg4[%mul3A_18] : memref<327680xi32, #tpu.memory_space<hbm>> -> memref<128xi32, #tpu.memory_space<hbm>>
      tpu.wait_dma2 semaphore(%run_scoped3A : memref<!tpu.dma_semaphore, #tpu.memory_space<semaphore_mem>>) src(%dma_wait3A_33 : memref<128xi32, #tpu.memory_space<hbm>>) dst(%arg7 : memref<128xi32, #tpu.memory_space<vmem>>)
      tpu.yield
    }) : () -> ()
    "tpu.region"() ({
      %run_scoped3A = tpu.sem_alloc : memref<!tpu.dma_semaphore, #tpu.memory_space<semaphore_mem>>
      %dma_start3A_31 = tpu.memref_slice %arg5[%mul3A_18] : memref<327680xi32, #tpu.memory_space<hbm>> -> memref<128xi32, #tpu.memory_space<hbm>>
      %dma_start3A_32 = tpu.memref_slice %arg5[%mul3A_18] : memref<327680xi32, #tpu.memory_space<hbm>> -> memref<128xi32, #tpu.memory_space<hbm>>
      tpu.enqueue_dma source(%dma_start3A_32 : memref<128xi32, #tpu.memory_space<hbm>>) target(%arg8 : memref<128xi32, #tpu.memory_space<vmem>>) target_semaphore(%run_scoped3A : memref<!tpu.dma_semaphore, #tpu.memory_space<semaphore_mem>>)
      %dma_wait3A = tpu.memref_slice %arg5[%mul3A_18] : memref<327680xi32, #tpu.memory_space<hbm>> -> memref<128xi32, #tpu.memory_space<hbm>>
      %dma_wait3A_33 = tpu.memref_slice %arg5[%mul3A_18] : memref<327680xi32, #tpu.memory_space<hbm>> -> memref<128xi32, #tpu.memory_space<hbm>>
      tpu.wait_dma2 semaphore(%run_scoped3A : memref<!tpu.dma_semaphore, #tpu.memory_space<semaphore_mem>>) src(%dma_wait3A_33 : memref<128xi32, #tpu.memory_space<hbm>>) dst(%arg8 : memref<128xi32, #tpu.memory_space<vmem>>)
      tpu.yield
    }) : () -> ()
    %dma_start3A = arith.constant 0 : i32
    %dma_start3A_19 = arith.constant 0 : i32
    %dma_start3A_20 = tpu.memref_slice %arg2[%dma_start3A, %dma_start3A_19] : memref<10000x128xf32, #tpu.memory_space<hbm>> -> memref<10000x128xf32, #tpu.memory_space<hbm>>
    tpu.enqueue_indirect_dma source(%dma_start3A_20 : memref<10000x128xf32, #tpu.memory_space<hbm>>) target(%arg11 : memref<128x128xf32, #tpu.memory_space<vmem>>) offsets(%arg7 : memref<128xi32, #tpu.memory_space<vmem>>) semaphore(%arg14 : memref<!tpu.dma_semaphore, #tpu.memory_space<semaphore_mem>>)
    %scan3A = arith.constant 0 : i32
    %scan3A_21 = arith.constant 40 : i32
    %scan3A_22 = arith.addi %scan3A, %scan3A_21 : i32
    %scan3A_23 = arith.constant 1 : i32
    scf.for %scan3A_31 = %scan3A to %scan3A_22 step %scan3A_23  : i32 {
      %mul3A_32 = arith.constant 2 : i32
      %mul3A_33 = arith.muli %scan3A_31, %mul3A_32 : i32
      %add3A_34 = arith.constant 1 : i32
      %add3A_35 = arith.addi %mul3A_33, %add3A_34 : i32
      %mul3A_36 = arith.constant 80 : i32
      %mul3A_37 = arith.muli %add3A, %mul3A_36 : i32
      %add3A_38 = arith.addi %mul3A_37, %add3A_35 : i32
      %mul3A_39 = arith.constant 128 : i32
      %mul3A_40 = arith.muli %add3A_38, %mul3A_39 : i32
      "tpu.region"() ({
        %run_scoped3A = tpu.sem_alloc : memref<!tpu.dma_semaphore, #tpu.memory_space<semaphore_mem>>
        %dma_start3A_58 = tpu.memref_slice %arg4[%mul3A_40] : memref<327680xi32, #tpu.memory_space<hbm>> -> memref<128xi32, #tpu.memory_space<hbm>>
        %dma_start3A_59 = tpu.memref_slice %arg4[%mul3A_40] : memref<327680xi32, #tpu.memory_space<hbm>> -> memref<128xi32, #tpu.memory_space<hbm>>
        tpu.enqueue_dma source(%dma_start3A_59 : memref<128xi32, #tpu.memory_space<hbm>>) target(%arg9 : memref<128xi32, #tpu.memory_space<vmem>>) target_semaphore(%run_scoped3A : memref<!tpu.dma_semaphore, #tpu.memory_space<semaphore_mem>>)
        %dma_wait3A_60 = tpu.memref_slice %arg4[%mul3A_40] : memref<327680xi32, #tpu.memory_space<hbm>> -> memref<128xi32, #tpu.memory_space<hbm>>
        %dma_wait3A_61 = tpu.memref_slice %arg4[%mul3A_40] : memref<327680xi32, #tpu.memory_space<hbm>> -> memref<128xi32, #tpu.memory_space<hbm>>
        tpu.wait_dma2 semaphore(%run_scoped3A : memref<!tpu.dma_semaphore, #tpu.memory_space<semaphore_mem>>) src(%dma_wait3A_61 : memref<128xi32, #tpu.memory_space<hbm>>) dst(%arg9 : memref<128xi32, #tpu.memory_space<vmem>>)
        tpu.yield
      }) : () -> ()
      "tpu.region"() ({
        %run_scoped3A = tpu.sem_alloc : memref<!tpu.dma_semaphore, #tpu.memory_space<semaphore_mem>>
        %dma_start3A_58 = tpu.memref_slice %arg5[%mul3A_40] : memref<327680xi32, #tpu.memory_space<hbm>> -> memref<128xi32, #tpu.memory_space<hbm>>
        %dma_start3A_59 = tpu.memref_slice %arg5[%mul3A_40] : memref<327680xi32, #tpu.memory_space<hbm>> -> memref<128xi32, #tpu.memory_space<hbm>>
        tpu.enqueue_dma source(%dma_start3A_59 : memref<128xi32, #tpu.memory_space<hbm>>) target(%arg10 : memref<128xi32, #tpu.memory_space<vmem>>) target_semaphore(%run_scoped3A : memref<!tpu.dma_semaphore, #tpu.memory_space<semaphore_mem>>)
        %dma_wait3A_60 = tpu.memref_slice %arg5[%mul3A_40] : memref<327680xi32, #tpu.memory_space<hbm>> -> memref<128xi32, #tpu.memory_space<hbm>>
        %dma_wait3A_61 = tpu.memref_slice %arg5[%mul3A_40] : memref<327680xi32, #tpu.memory_space<hbm>> -> memref<128xi32, #tpu.memory_space<hbm>>
        tpu.wait_dma2 semaphore(%run_scoped3A : memref<!tpu.dma_semaphore, #tpu.memory_space<semaphore_mem>>) src(%dma_wait3A_61 : memref<128xi32, #tpu.memory_space<hbm>>) dst(%arg10 : memref<128xi32, #tpu.memory_space<vmem>>)
        tpu.yield
      }) : () -> ()
      %dma_wait3A = arith.constant 0 : i32
      %dma_wait3A_41 = arith.constant 0 : i32
      %dma_wait3A_42 = tpu.memref_slice %arg2[%dma_wait3A, %dma_wait3A_41] : memref<10000x128xf32, #tpu.memory_space<hbm>> -> memref<10000x128xf32, #tpu.memory_space<hbm>>
      tpu.wait_indirect_dma semaphore(%arg14 : memref<!tpu.dma_semaphore, #tpu.memory_space<semaphore_mem>>) src(%dma_wait3A_42 : memref<10000x128xf32, #tpu.memory_space<hbm>>) dst(%arg11 : memref<128x128xf32, #tpu.memory_space<vmem>>)
      %dma_start3A_43 = arith.constant 0 : i32
      %dma_start3A_44 = arith.constant 0 : i32
      %dma_start3A_45 = tpu.memref_slice %arg2[%dma_start3A_43, %dma_start3A_44] : memref<10000x128xf32, #tpu.memory_space<hbm>> -> memref<10000x128xf32, #tpu.memory_space<hbm>>
      tpu.enqueue_indirect_dma source(%dma_start3A_45 : memref<10000x128xf32, #tpu.memory_space<hbm>>) target(%arg12 : memref<128x128xf32, #tpu.memory_space<vmem>>) offsets(%arg9 : memref<128xi32, #tpu.memory_space<vmem>>) semaphore(%arg15 : memref<!tpu.dma_semaphore, #tpu.memory_space<semaphore_mem>>)
      "tpu.region"() ({
        %run_scoped3A = tpu.sem_alloc : memref<!tpu.dma_semaphore, #tpu.memory_space<semaphore_mem>>
        %dma_start3A_58 = arith.constant 0 : i32
        %dma_start3A_59 = arith.constant 0 : i32
        %dma_start3A_60 = tpu.memref_slice %arg13[%dma_start3A_58, %dma_start3A_59] : memref<12048x128xf32, #tpu.memory_space<vmem_shared>> -> memref<12048x128xf32, #tpu.memory_space<vmem_shared>>
        tpu.enqueue_indirect_dma source(%arg11 : memref<128x128xf32, #tpu.memory_space<vmem>>) target(%dma_start3A_60 : memref<12048x128xf32, #tpu.memory_space<vmem_shared>>) offsets(%arg8 : memref<128xi32, #tpu.memory_space<vmem>>) semaphore(%run_scoped3A : memref<!tpu.dma_semaphore, #tpu.memory_space<semaphore_mem>>) {add = true}
        %dma_wait3A_61 = arith.constant 0 : i32
        %dma_wait3A_62 = arith.constant 0 : i32
        %dma_wait3A_63 = tpu.memref_slice %arg13[%dma_wait3A_61, %dma_wait3A_62] : memref<12048x128xf32, #tpu.memory_space<vmem_shared>> -> memref<12048x128xf32, #tpu.memory_space<vmem_shared>>
        tpu.wait_indirect_dma semaphore(%run_scoped3A : memref<!tpu.dma_semaphore, #tpu.memory_space<semaphore_mem>>) src(%arg11 : memref<128x128xf32, #tpu.memory_space<vmem>>) dst(%dma_wait3A_63 : memref<12048x128xf32, #tpu.memory_space<vmem_shared>>)
        tpu.yield
      }) : () -> ()
      %lt3A = arith.constant 39 : i32
      %lt3A_46 = arith.cmpi slt, %scan3A_31, %lt3A : i32
      %convert_element_type3A_47 = arith.extui %lt3A_46 : i1 to i32
      %cond3A_48 = arith.constant 0 : i32
      %cond3A_49 = arith.cmpi ne, %convert_element_type3A_47, %cond3A_48 : i32
      scf.if %cond3A_49 {
        %add3A_58 = arith.constant 2 : i32
        %add3A_59 = arith.addi %mul3A_33, %add3A_58 : i32
        %mul3A_60 = arith.constant 80 : i32
        %mul3A_61 = arith.muli %add3A, %mul3A_60 : i32
        %add3A_62 = arith.addi %mul3A_61, %add3A_59 : i32
        %mul3A_63 = arith.constant 128 : i32
        %mul3A_64 = arith.muli %add3A_62, %mul3A_63 : i32
        "tpu.region"() ({
          %run_scoped3A = tpu.sem_alloc : memref<!tpu.dma_semaphore, #tpu.memory_space<semaphore_mem>>
          %dma_start3A_65 = tpu.memref_slice %arg4[%mul3A_64] : memref<327680xi32, #tpu.memory_space<hbm>> -> memref<128xi32, #tpu.memory_space<hbm>>
          %dma_start3A_66 = tpu.memref_slice %arg4[%mul3A_64] : memref<327680xi32, #tpu.memory_space<hbm>> -> memref<128xi32, #tpu.memory_space<hbm>>
          tpu.enqueue_dma source(%dma_start3A_66 : memref<128xi32, #tpu.memory_space<hbm>>) target(%arg7 : memref<128xi32, #tpu.memory_space<vmem>>) target_semaphore(%run_scoped3A : memref<!tpu.dma_semaphore, #tpu.memory_space<semaphore_mem>>)
          %dma_wait3A_67 = tpu.memref_slice %arg4[%mul3A_64] : memref<327680xi32, #tpu.memory_space<hbm>> -> memref<128xi32, #tpu.memory_space<hbm>>
          %dma_wait3A_68 = tpu.memref_slice %arg4[%mul3A_64] : memref<327680xi32, #tpu.memory_space<hbm>> -> memref<128xi32, #tpu.memory_space<hbm>>
          tpu.wait_dma2 semaphore(%run_scoped3A : memref<!tpu.dma_semaphore, #tpu.memory_space<semaphore_mem>>) src(%dma_wait3A_68 : memref<128xi32, #tpu.memory_space<hbm>>) dst(%arg7 : memref<128xi32, #tpu.memory_space<vmem>>)
          tpu.yield
        }) : () -> ()
        "tpu.region"() ({
          %run_scoped3A = tpu.sem_alloc : memref<!tpu.dma_semaphore, #tpu.memory_space<semaphore_mem>>
          %dma_start3A_65 = tpu.memref_slice %arg5[%mul3A_64] : memref<327680xi32, #tpu.memory_space<hbm>> -> memref<128xi32, #tpu.memory_space<hbm>>
          %dma_start3A_66 = tpu.memref_slice %arg5[%mul3A_64] : memref<327680xi32, #tpu.memory_space<hbm>> -> memref<128xi32, #tpu.memory_space<hbm>>
          tpu.enqueue_dma source(%dma_start3A_66 : memref<128xi32, #tpu.memory_space<hbm>>) target(%arg8 : memref<128xi32, #tpu.memory_space<vmem>>) target_semaphore(%run_scoped3A : memref<!tpu.dma_semaphore, #tpu.memory_space<semaphore_mem>>)
          %dma_wait3A_67 = tpu.memref_slice %arg5[%mul3A_64] : memref<327680xi32, #tpu.memory_space<hbm>> -> memref<128xi32, #tpu.memory_space<hbm>>
          %dma_wait3A_68 = tpu.memref_slice %arg5[%mul3A_64] : memref<327680xi32, #tpu.memory_space<hbm>> -> memref<128xi32, #tpu.memory_space<hbm>>
          tpu.wait_dma2 semaphore(%run_scoped3A : memref<!tpu.dma_semaphore, #tpu.memory_space<semaphore_mem>>) src(%dma_wait3A_68 : memref<128xi32, #tpu.memory_space<hbm>>) dst(%arg8 : memref<128xi32, #tpu.memory_space<vmem>>)
          tpu.yield
        }) : () -> ()
      } else {
      }
      %dma_wait3A_50 = arith.constant 0 : i32
      %dma_wait3A_51 = arith.constant 0 : i32
      %dma_wait3A_52 = tpu.memref_slice %arg2[%dma_wait3A_50, %dma_wait3A_51] : memref<10000x128xf32, #tpu.memory_space<hbm>> -> memref<10000x128xf32, #tpu.memory_space<hbm>>
      tpu.wait_indirect_dma semaphore(%arg15 : memref<!tpu.dma_semaphore, #tpu.memory_space<semaphore_mem>>) src(%dma_wait3A_52 : memref<10000x128xf32, #tpu.memory_space<hbm>>) dst(%arg12 : memref<128x128xf32, #tpu.memory_space<vmem>>)
      %lt3A_53 = arith.constant 39 : i32
      %lt3A_54 = arith.cmpi slt, %scan3A_31, %lt3A_53 : i32
      %convert_element_type3A_55 = arith.extui %lt3A_54 : i1 to i32
      %cond3A_56 = arith.constant 0 : i32
      %cond3A_57 = arith.cmpi ne, %convert_element_type3A_55, %cond3A_56 : i32
      scf.if %cond3A_57 {
        %dma_start3A_58 = arith.constant 0 : i32
        %dma_start3A_59 = arith.constant 0 : i32
        %dma_start3A_60 = tpu.memref_slice %arg2[%dma_start3A_58, %dma_start3A_59] : memref<10000x128xf32, #tpu.memory_space<hbm>> -> memref<10000x128xf32, #tpu.memory_space<hbm>>
        tpu.enqueue_indirect_dma source(%dma_start3A_60 : memref<10000x128xf32, #tpu.memory_space<hbm>>) target(%arg11 : memref<128x128xf32, #tpu.memory_space<vmem>>) offsets(%arg7 : memref<128xi32, #tpu.memory_space<vmem>>) semaphore(%arg14 : memref<!tpu.dma_semaphore, #tpu.memory_space<semaphore_mem>>)
      } else {
      }
      "tpu.region"() ({
        %run_scoped3A = tpu.sem_alloc : memref<!tpu.dma_semaphore, #tpu.memory_space<semaphore_mem>>
        %dma_start3A_58 = arith.constant 0 : i32
        %dma_start3A_59 = arith.constant 0 : i32
        %dma_start3A_60 = tpu.memref_slice %arg13[%dma_start3A_58, %dma_start3A_59] : memref<12048x128xf32, #tpu.memory_space<vmem_shared>> -> memref<12048x128xf32, #tpu.memory_space<vmem_shared>>
        tpu.enqueue_indirect_dma source(%arg12 : memref<128x128xf32, #tpu.memory_space<vmem>>) target(%dma_start3A_60 : memref<12048x128xf32, #tpu.memory_space<vmem_shared>>) offsets(%arg10 : memref<128xi32, #tpu.memory_space<vmem>>) semaphore(%run_scoped3A : memref<!tpu.dma_semaphore, #tpu.memory_space<semaphore_mem>>) {add = true}
        %dma_wait3A_61 = arith.constant 0 : i32
        %dma_wait3A_62 = arith.constant 0 : i32
        %dma_wait3A_63 = tpu.memref_slice %arg13[%dma_wait3A_61, %dma_wait3A_62] : memref<12048x128xf32, #tpu.memory_space<vmem_shared>> -> memref<12048x128xf32, #tpu.memory_space<vmem_shared>>
        tpu.wait_indirect_dma semaphore(%run_scoped3A : memref<!tpu.dma_semaphore, #tpu.memory_space<semaphore_mem>>) src(%arg12 : memref<128x128xf32, #tpu.memory_space<vmem>>) dst(%dma_wait3A_63 : memref<12048x128xf32, #tpu.memory_space<vmem_shared>>)
        tpu.yield
      }) : () -> ()
    }
    %scan3A_24 = arith.constant 40 : i32
    %barrier3A_25 = arith.constant 0 : index
    tpu.barrier barrier_id(%barrier3A_25)
    %eq3A_26 = arith.constant 0 : i32
    %eq3A_27 = arith.cmpi eq, %arg1, %eq3A_26 : i32
    %convert_element_type3A_28 = arith.extui %eq3A_27 : i1 to i32
    %cond3A_29 = arith.constant 0 : i32
    %cond3A_30 = arith.cmpi ne, %convert_element_type3A_28, %cond3A_29 : i32
    scf.if %cond3A_30 {
      "tpu.region"() ({
        %run_scoped3A = tpu.sem_alloc : memref<!tpu.dma_semaphore, #tpu.memory_space<semaphore_mem>>
        %dma_start3A_31 = arith.constant 0 : i32
        %dma_start3A_32 = arith.constant 0 : i32
        %dma_start3A_33 = tpu.memref_slice %arg6[%arg0, %dma_start3A_31, %dma_start3A_32] : memref<2x10000x128xf32, #tpu.memory_space<hbm>> -> memref<1x10000x128xf32, #tpu.memory_space<hbm>>
        %dma_start3A_34 = tpu.memref_squeeze %dma_start3A_33 : memref<1x10000x128xf32, #tpu.memory_space<hbm>> -> memref<10000x128xf32, #tpu.memory_space<hbm>>
        %dma_start3A_35 = arith.constant 0 : i32
        %dma_start3A_36 = arith.constant 0 : i32
        %dma_start3A_37 = tpu.memref_slice %arg13[%dma_start3A_35, %dma_start3A_36] : memref<12048x128xf32, #tpu.memory_space<vmem_shared>> -> memref<10000x128xf32, #tpu.memory_space<vmem_shared>>
        tpu.enqueue_dma source(%dma_start3A_37 : memref<10000x128xf32, #tpu.memory_space<vmem_shared>>) target(%dma_start3A_34 : memref<10000x128xf32, #tpu.memory_space<hbm>>) target_semaphore(%run_scoped3A : memref<!tpu.dma_semaphore, #tpu.memory_space<semaphore_mem>>)
        %dma_wait3A = arith.constant 0 : i32
        %dma_wait3A_38 = arith.constant 0 : i32
        %dma_wait3A_39 = tpu.memref_slice %arg6[%arg0, %dma_wait3A, %dma_wait3A_38] : memref<2x10000x128xf32, #tpu.memory_space<hbm>> -> memref<1x10000x128xf32, #tpu.memory_space<hbm>>
        %dma_wait3A_40 = tpu.memref_squeeze %dma_wait3A_39 : memref<1x10000x128xf32, #tpu.memory_space<hbm>> -> memref<10000x128xf32, #tpu.memory_space<hbm>>
        %dma_wait3A_41 = arith.constant 0 : i32
        %dma_wait3A_42 = arith.constant 0 : i32
        %dma_wait3A_43 = tpu.memref_slice %arg13[%dma_wait3A_41, %dma_wait3A_42] : memref<12048x128xf32, #tpu.memory_space<vmem_shared>> -> memref<10000x128xf32, #tpu.memory_space<vmem_shared>>
        tpu.wait_dma2 semaphore(%run_scoped3A : memref<!tpu.dma_semaphore, #tpu.memory_space<semaphore_mem>>) src(%dma_wait3A_43 : memref<10000x128xf32, #tpu.memory_space<vmem_shared>>) dst(%dma_wait3A_40 : memref<10000x128xf32, #tpu.memory_space<hbm>>)
        tpu.yield
      }) : () -> ()
    } else {
    }
    return
  }
}

module attributes {stable_mosaic.version = 14 : i64} {
  func.func @_tc0_body(%arg0: i32, %arg1: memref<2x96x128xf32, #tpu.memory_space<vmem>>, %arg2: memref<96x128xf32, #tpu.memory_space<vmem>>) attributes {dimension_semantics = [#tpu.dimension_semantics<arbitrary>], iteration_bounds = array<i64: 1>, scalar_prefetch = 0 : i64, scratch_operands = 0 : i64, tpu.core_type = #tpu.core_type<tc>, window_params = [{pipeline_mode = #tpu.pipeline_mode<synchronous>, transform_indices = @transform_0, window_bounds = array<i64: 2, 96, 128>}, {pipeline_mode = #tpu.pipeline_mode<synchronous>, transform_indices = @transform_1, window_bounds = array<i64: 96, 128>}]} {
    %get3A = arith.constant 0 : index
    %get3A_0 = arith.constant 0 : index
    %get3A_1 = arith.constant 0 : index
    %get3A_2 = vector.load %arg1[%get3A, %get3A_0, %get3A_1] : memref<2x96x128xf32, #tpu.memory_space<vmem>>, vector<1x96x128xf32>
    %get3A_3 = vector.shape_cast %get3A_2 : vector<1x96x128xf32> to vector<96x128xf32>
    %get3A_4 = arith.constant 1 : index
    %get3A_5 = arith.constant 0 : index
    %get3A_6 = arith.constant 0 : index
    %get3A_7 = vector.load %arg1[%get3A_4, %get3A_5, %get3A_6] : memref<2x96x128xf32, #tpu.memory_space<vmem>>, vector<1x96x128xf32>
    %get3A_8 = vector.shape_cast %get3A_7 : vector<1x96x128xf32> to vector<96x128xf32>
    %add3A = arith.addf %get3A_3, %get3A_8 : vector<96x128xf32>
    %add3A_9 = arith.constant 1.000000e+00 : f32
    %add3A_10 = vector.broadcast %add3A_9 : f32 to vector<96x128xf32>
    %add3A_11 = arith.addf %add3A, %add3A_10 : vector<96x128xf32>
    %gt3A = arith.constant 0.000000e+00 : f32
    %gt3A_12 = vector.broadcast %gt3A : f32 to vector<96x128xf32>
    %gt3A_13 = arith.cmpf ogt, %add3A_11, %gt3A_12 : vector<96x128xf32>
    %rsqrt3A = math.rsqrt %add3A_11 : vector<96x128xf32>
    %jit3A = arith.constant 0.000000e+00 : f32
    %broadcast_in_dim3A = vector.broadcast %jit3A : f32 to vector<96x128xf32>
    %select_n3A = arith.select %gt3A_13, %rsqrt3A, %broadcast_in_dim3A : vector<96x128xi1>, vector<96x128xf32>
    %swap3A = arith.constant 0 : index
    %swap3A_14 = arith.constant 0 : index
    %swap3A_15 = vector.load %arg2[%swap3A, %swap3A_14] : memref<96x128xf32, #tpu.memory_space<vmem>>, vector<96x128xf32>
    tpu.vector_store %arg2[%swap3A, %swap3A_14], %select_n3A {strides = array<i32>} : memref<96x128xf32, #tpu.memory_space<vmem>>, vector<96x128xf32>,
    return
  }
  func.func @transform_0(%arg0: i32) -> (i32, i32, i32) {
    %c0_i32 = arith.constant 0 : i32
    %c0_i32_0 = arith.constant 0 : i32
    %c0_i32_1 = arith.constant 0 : i32
    %c0_i32_2 = arith.constant 0 : i32
    return %c0_i32, %c0_i32_0, %c0_i32_1 : i32, i32, i32
  }
  func.func @transform_1(%arg0: i32) -> (i32, i32) {
    %c0_i32 = arith.constant 0 : i32
    %c0_i32_0 = arith.constant 0 : i32
    %c0_i32_1 = arith.constant 0 : i32
    return %c0_i32, %c0_i32_0 : i32, i32
  }
}

module attributes {stable_mosaic.version = 14 : i64} {
  func.func @_tc1_body(%arg0: i32, %arg1: memref<1000x128xf32, #tpu.memory_space<vmem>>, %arg2: memref<128x128xf32, #tpu.memory_space<vmem>>, %arg3: memref<1x128xf32, #tpu.memory_space<vmem>>, %arg4: memref<1000x1xf32, #tpu.memory_space<vmem>>, %arg5: memref<1000x128xf32, #tpu.memory_space<vmem>>) attributes {dimension_semantics = [#tpu.dimension_semantics<arbitrary>], iteration_bounds = array<i64: 10>, scalar_prefetch = 0 : i64, scratch_operands = 0 : i64, tpu.core_type = #tpu.core_type<tc>, window_params = [{transform_indices = @transform_0, window_bounds = array<i64: 1000, 128>}, {pipeline_mode = #tpu.pipeline_mode<synchronous>, transform_indices = @transform_1, window_bounds = array<i64: 128, 128>}, {pipeline_mode = #tpu.pipeline_mode<synchronous>, transform_indices = @transform_2, window_bounds = array<i64: 1, 128>}, {transform_indices = @transform_3, window_bounds = array<i64: 1000, 1>}, {transform_indices = @transform_4, window_bounds = array<i64: 1000, 128>}]} {
    %get3A = arith.constant 0 : index
    %get3A_0 = arith.constant 0 : index
    %get3A_1 = vector.load %arg1[%get3A, %get3A_0] : memref<1000x128xf32, #tpu.memory_space<vmem>>, vector<1000x128xf32>
    %get3A_2 = arith.constant 0 : index
    %get3A_3 = arith.constant 0 : index
    %get3A_4 = vector.load %arg2[%get3A_2, %get3A_3] : memref<128x128xf32, #tpu.memory_space<vmem>>, vector<128x128xf32>
    %dot_general3A = arith.constant dense<0.000000e+00> : vector<1000x128xf32>
    %dot_general3A_5 = tpu.matmul %get3A_1, %get3A_4, %dot_general3A {dimension_numbers = #tpu.dot_dimension_numbers<[1], [0], [0], [1], [0, 0, 1, 1], [], []>, transpose_lhs_hint = false} : vector<1000x128xf32>, vector<128x128xf32>, vector<1000x128xf32> -> vector<1000x128xf32>
    %get3A_6 = arith.constant 0 : index
    %get3A_7 = arith.constant 0 : index
    %get3A_8 = vector.load %arg3[%get3A_6, %get3A_7] : memref<1x128xf32, #tpu.memory_space<vmem>>, vector<1x128xf32>
    %add3A = vector.broadcast %get3A_8 : vector<1x128xf32> to vector<1000x128xf32>
    %add3A_9 = arith.addf %dot_general3A_5, %add3A : vector<1000x128xf32>
    %get3A_10 = arith.constant 0 : index
    %get3A_11 = arith.constant 0 : index
    %get3A_12 = vector.load %arg4[%get3A_10, %get3A_11] : memref<1000x1xf32, #tpu.memory_space<vmem>>, vector<1000x1xf32>
    %mul3A = vector.broadcast %get3A_12 : vector<1000x1xf32> to vector<1000x128xf32>
    %mul3A_13 = arith.mulf %add3A_9, %mul3A : vector<1000x128xf32>
    %swap3A = arith.constant 0 : index
    %swap3A_14 = arith.constant 0 : index
    %swap3A_15 = vector.load %arg5[%swap3A, %swap3A_14] : memref<1000x128xf32, #tpu.memory_space<vmem>>, vector<1000x128xf32>
    tpu.vector_store %arg5[%swap3A, %swap3A_14], %mul3A_13 {strides = array<i32>} : memref<1000x128xf32, #tpu.memory_space<vmem>>, vector<1000x128xf32>,
    return
  }
  func.func @transform_0(%arg0: i32) -> (i32, i32) {
    %c0_i32 = arith.constant 0 : i32
    %c0_i32_0 = arith.constant 0 : i32
    return %arg0, %c0_i32 : i32, i32
  }
  func.func @transform_1(%arg0: i32) -> (i32, i32) {
    %c0_i32 = arith.constant 0 : i32
    %c0_i32_0 = arith.constant 0 : i32
    %c0_i32_1 = arith.constant 0 : i32
    return %c0_i32, %c0_i32_0 : i32, i32
  }
  func.func @transform_2(%arg0: i32) -> (i32, i32) {
    %c0_i32 = arith.constant 0 : i32
    %c0_i32_0 = arith.constant 0 : i32
    %c0_i32_1 = arith.constant 0 : i32
    return %c0_i32, %c0_i32_0 : i32, i32
  }
  func.func @transform_3(%arg0: i32) -> (i32, i32) {
    %c0_i32 = arith.constant 0 : i32
    %c0_i32_0 = arith.constant 0 : i32
    return %arg0, %c0_i32 : i32, i32
  }
  func.func @transform_4(%arg0: i32) -> (i32, i32) {
    %c0_i32 = arith.constant 0 : i32
    %c0_i32_0 = arith.constant 0 : i32
    return %arg0, %c0_i32 : i32, i32
  }
}

module attributes {stable_mosaic.version = 14 : i64} {
  func.func @_tc2_body(%arg0: i32, %arg1: memref<2x1000x128xf32, #tpu.memory_space<vmem>>, %arg2: memref<1000x1xf32, #tpu.memory_space<vmem>>, %arg3: memref<128x128xf32, #tpu.memory_space<vmem>>, %arg4: memref<1x128xf32, #tpu.memory_space<vmem>>, %arg5: memref<1000x128xf32, #tpu.memory_space<vmem>>) attributes {dimension_semantics = [#tpu.dimension_semantics<arbitrary>], iteration_bounds = array<i64: 10>, scalar_prefetch = 0 : i64, scratch_operands = 0 : i64, tpu.core_type = #tpu.core_type<tc>, window_params = [{transform_indices = @transform_0, window_bounds = array<i64: 2, 1000, 128>}, {transform_indices = @transform_1, window_bounds = array<i64: 1000, 1>}, {pipeline_mode = #tpu.pipeline_mode<synchronous>, transform_indices = @transform_2, window_bounds = array<i64: 128, 128>}, {pipeline_mode = #tpu.pipeline_mode<synchronous>, transform_indices = @transform_3, window_bounds = array<i64: 1, 128>}, {transform_indices = @transform_4, window_bounds = array<i64: 1000, 128>}]} {
    %get3A = arith.constant 0 : index
    %get3A_0 = arith.constant 0 : index
    %get3A_1 = vector.load %arg2[%get3A, %get3A_0] : memref<1000x1xf32, #tpu.memory_space<vmem>>, vector<1000x1xf32>
    %get3A_2 = arith.constant 0 : index
    %get3A_3 = arith.constant 0 : index
    %get3A_4 = arith.constant 0 : index
    %get3A_5 = vector.load %arg1[%get3A_2, %get3A_3, %get3A_4] : memref<2x1000x128xf32, #tpu.memory_space<vmem>>, vector<1x1000x128xf32>
    %get3A_6 = vector.shape_cast %get3A_5 : vector<1x1000x128xf32> to vector<1000x128xf32>
    %get3A_7 = arith.constant 1 : index
    %get3A_8 = arith.constant 0 : index
    %get3A_9 = arith.constant 0 : index
    %get3A_10 = vector.load %arg1[%get3A_7, %get3A_8, %get3A_9] : memref<2x1000x128xf32, #tpu.memory_space<vmem>>, vector<1x1000x128xf32>
    %get3A_11 = vector.shape_cast %get3A_10 : vector<1x1000x128xf32> to vector<1000x128xf32>
    %add3A = arith.addf %get3A_6, %get3A_11 : vector<1000x128xf32>
    %mul3A = vector.broadcast %get3A_1 : vector<1000x1xf32> to vector<1000x128xf32>
    %mul3A_12 = arith.mulf %add3A, %mul3A : vector<1000x128xf32>
    %max3A = arith.constant 0.000000e+00 : f32
    %max3A_13 = vector.broadcast %max3A : f32 to vector<1000x128xf32>
    %max3A_14 = arith.maximumf %mul3A_12, %max3A_13 : vector<1000x128xf32>
    %get3A_15 = arith.constant 0 : index
    %get3A_16 = arith.constant 0 : index
    %get3A_17 = vector.load %arg3[%get3A_15, %get3A_16] : memref<128x128xf32, #tpu.memory_space<vmem>>, vector<128x128xf32>
    %dot_general3A = arith.constant dense<0.000000e+00> : vector<1000x128xf32>
    %dot_general3A_18 = tpu.matmul %max3A_14, %get3A_17, %dot_general3A {dimension_numbers = #tpu.dot_dimension_numbers<[1], [0], [0], [1], [0, 0, 1, 1], [], []>, transpose_lhs_hint = false} : vector<1000x128xf32>, vector<128x128xf32>, vector<1000x128xf32> -> vector<1000x128xf32>
    %get3A_19 = arith.constant 0 : index
    %get3A_20 = arith.constant 0 : index
    %get3A_21 = vector.load %arg4[%get3A_19, %get3A_20] : memref<1x128xf32, #tpu.memory_space<vmem>>, vector<1x128xf32>
    %add3A_22 = vector.broadcast %get3A_21 : vector<1x128xf32> to vector<1000x128xf32>
    %add3A_23 = arith.addf %dot_general3A_18, %add3A_22 : vector<1000x128xf32>
    %mul3A_24 = vector.broadcast %get3A_1 : vector<1000x1xf32> to vector<1000x128xf32>
    %mul3A_25 = arith.mulf %add3A_23, %mul3A_24 : vector<1000x128xf32>
    %swap3A = arith.constant 0 : index
    %swap3A_26 = arith.constant 0 : index
    %swap3A_27 = vector.load %arg5[%swap3A, %swap3A_26] : memref<1000x128xf32, #tpu.memory_space<vmem>>, vector<1000x128xf32>
    tpu.vector_store %arg5[%swap3A, %swap3A_26], %mul3A_25 {strides = array<i32>} : memref<1000x128xf32, #tpu.memory_space<vmem>>, vector<1000x128xf32>,
    return
  }
  func.func @transform_0(%arg0: i32) -> (i32, i32, i32) {
    %c0_i32 = arith.constant 0 : i32
    %c0_i32_0 = arith.constant 0 : i32
    %c0_i32_1 = arith.constant 0 : i32
    return %c0_i32, %arg0, %c0_i32_0 : i32, i32, i32
  }
  func.func @transform_1(%arg0: i32) -> (i32, i32) {
    %c0_i32 = arith.constant 0 : i32
    %c0_i32_0 = arith.constant 0 : i32
    return %arg0, %c0_i32 : i32, i32
  }
  func.func @transform_2(%arg0: i32) -> (i32, i32) {
    %c0_i32 = arith.constant 0 : i32
    %c0_i32_0 = arith.constant 0 : i32
    %c0_i32_1 = arith.constant 0 : i32
    return %c0_i32, %c0_i32_0 : i32, i32
  }
  func.func @transform_3(%arg0: i32) -> (i32, i32) {
    %c0_i32 = arith.constant 0 : i32
    %c0_i32_0 = arith.constant 0 : i32
    %c0_i32_1 = arith.constant 0 : i32
    return %c0_i32, %c0_i32_0 : i32, i32
  }
  func.func @transform_4(%arg0: i32) -> (i32, i32) {
    %c0_i32 = arith.constant 0 : i32
    %c0_i32_0 = arith.constant 0 : i32
    return %arg0, %c0_i32 : i32, i32
  }
}

module attributes {stable_mosaic.version = 14 : i64} {
  func.func @_tc3_body(%arg0: i32, %arg1: memref<2x1000x128xf32, #tpu.memory_space<vmem>>, %arg2: memref<1000x1xf32, #tpu.memory_space<vmem>>, %arg3: memref<1000x128xf32, #tpu.memory_space<vmem>>) attributes {dimension_semantics = [#tpu.dimension_semantics<arbitrary>], iteration_bounds = array<i64: 10>, scalar_prefetch = 0 : i64, scratch_operands = 0 : i64, tpu.core_type = #tpu.core_type<tc>, window_params = [{transform_indices = @transform_0, window_bounds = array<i64: 2, 1000, 128>}, {transform_indices = @transform_1, window_bounds = array<i64: 1000, 1>}, {transform_indices = @transform_2, window_bounds = array<i64: 1000, 128>}]} {
    %get3A = arith.constant 0 : index
    %get3A_0 = arith.constant 0 : index
    %get3A_1 = arith.constant 0 : index
    %get3A_2 = vector.load %arg1[%get3A, %get3A_0, %get3A_1] : memref<2x1000x128xf32, #tpu.memory_space<vmem>>, vector<1x1000x128xf32>
    %get3A_3 = vector.shape_cast %get3A_2 : vector<1x1000x128xf32> to vector<1000x128xf32>
    %get3A_4 = arith.constant 1 : index
    %get3A_5 = arith.constant 0 : index
    %get3A_6 = arith.constant 0 : index
    %get3A_7 = vector.load %arg1[%get3A_4, %get3A_5, %get3A_6] : memref<2x1000x128xf32, #tpu.memory_space<vmem>>, vector<1x1000x128xf32>
    %get3A_8 = vector.shape_cast %get3A_7 : vector<1x1000x128xf32> to vector<1000x128xf32>
    %add3A = arith.addf %get3A_3, %get3A_8 : vector<1000x128xf32>
    %get3A_9 = arith.constant 0 : index
    %get3A_10 = arith.constant 0 : index
    %get3A_11 = vector.load %arg2[%get3A_9, %get3A_10] : memref<1000x1xf32, #tpu.memory_space<vmem>>, vector<1000x1xf32>
    %mul3A = vector.broadcast %get3A_11 : vector<1000x1xf32> to vector<1000x128xf32>
    %mul3A_12 = arith.mulf %add3A, %mul3A : vector<1000x128xf32>
    %swap3A = arith.constant 0 : index
    %swap3A_13 = arith.constant 0 : index
    %swap3A_14 = vector.load %arg3[%swap3A, %swap3A_13] : memref<1000x128xf32, #tpu.memory_space<vmem>>, vector<1000x128xf32>
    tpu.vector_store %arg3[%swap3A, %swap3A_13], %mul3A_12 {strides = array<i32>} : memref<1000x128xf32, #tpu.memory_space<vmem>>, vector<1000x128xf32>,
    return
  }
  func.func @transform_0(%arg0: i32) -> (i32, i32, i32) {
    %c0_i32 = arith.constant 0 : i32
    %c0_i32_0 = arith.constant 0 : i32
    %c0_i32_1 = arith.constant 0 : i32
    return %c0_i32, %arg0, %c0_i32_0 : i32, i32, i32
  }
  func.func @transform_1(%arg0: i32) -> (i32, i32) {
    %c0_i32 = arith.constant 0 : i32
    %c0_i32_0 = arith.constant 0 : i32
    return %arg0, %c0_i32 : i32, i32
  }
  func.func @transform_2(%arg0: i32) -> (i32, i32) {
    %c0_i32 = arith.constant 0 : i32
    %c0_i32_0 = arith.constant 0 : i32
    return %arg0, %c0_i32 : i32, i32
  }
}

</mosaic_0001>

<sc_bundles>
// kernel: kernel.12.cloned.1.call-start
scs
__scs_entry_jumppad:
0x0: {  	(pc) =	sbr.rel $0x88, $3  }
0x1: {  	(tag) =	ssettag $0x0;
	lr =	simm.s32 $0x1  }
0x2: {  	[smem:$0x3F9B] =	sst lr;
	_ =	strace $0xD0000000  }
0x3: {  	_ = 	snop  }
0x4: {  	_ = 	snop  }
0x5: {  	_ = 	snop  }
0x6: {  	_ = 	snop  }
0x7: {  	_ = 	snop  }
__scs_overlays_trampoline_lowered:
0x8: {  	[smem:$0x3FAA] =	sst s0  }
0x9: {  	[smem:$0x3FAB] =	sst s1  }
0xa: {  	[smem:$0x3FAC] =	sst s2  }
0xb: {  	[smem:$0x3FAD] =	sst s3  }
0xc: {  	[smem:$0x3FAE] =	sst s4  }
0xd: {  	[smem:$0x3FAF] =	sst s5  }
0xe: {  	[smem:$0x3FB0] =	sst s6  }
0xf: {  	[smem:$0x3FB1] =	sst s7  }
0x10: {  	[smem:$0x3FB2] =	sst s8  }
0x11: {  	[smem:$0x3FB3] =	sst s9;
	s0 =	simm.s32 @!p0 $0x0  }
0x12: {  	s1 =	sld [smem:$0x3F99];
	s0 =	simm.s32 @p0 $0x1  }
0x13: {  	[smem:$0x3FB4] =	sst s0;
	s0 =	simm.s32 @!p1 $0x0  }
0x14: {  	s2 =	sld [smem:$0x3F98];
	s0 =	simm.s32 @p1 $0x1  }
0x15: {  	[smem:$0x3FB5] =	sst s0;
	s0 =	simm.s32 @!p2 $0x0  }
0x16: {  	s3 =	sld [smem:$0x3FDB];
	s0 =	simm.s32 @p2 $0x1  }
0x17: {  	s4 =	simm.s32 $0x1BF5;
	[smem:$0x3FB7] =	sst s0  }
0x18: {  	s0 =	sld [smem:$0x3F9A];
	_ =	swait.ge [sflag:s4], $0x0  }
0x19: {  	s7 =	sld [smem:$0x3F9B]  }
0x1a: {  	s8 =	sadd.s32 $0xFFFFE003, lr  }
0x1b: {  	s9 =	sadd.s32 $0xFFFFFEF7, lr;
	s5 =	simm.s32 $0xFFFFFFFF;
	p2 =	slt.u32 s8, $0xFFFFF086  }
0x1c: {  	p1 =	slt.u32 s9, $0xF7A;
	s5 =	simm.s32 @!p2 $0x0  }
0x1d: {  	s5 =	simm.s32 @p1 $0x1;
	p0 =	seq.s32 s7, s2  }
0x1e: {  	s7 =	smul.u32 @!p0 $0xF7A, s2;
	p2 =	seq.s32 @!p0 s5, $0x0  }
0x1f: {  	s9 =	smul.u32 $0xF7A, s1;
	s8 =	simm.s32 @!p0 $0x1BF5;
	p2 =	por !p2, p0  }
0x20: {  	[sflag:s8] =	ssyncset.s32 @!p0 $0xFFFFF086;
	s6 =	sadd.s32 @!p0 s3, s7;
	s7 =	simm.s32 @!p0 $0x108  }
0x21: {  	s3 =	sadd.s32 s3, s9;
	s6 =	sadd.s32 @!p0 $0x88, s6;
	s7 =	simm.s32 @p2 $0x1082  }
0x22: {  	[simem:s7], [sflag:s8] =	dma.local @!p0 [hbm:s6], $0xF7A  }
0x23: {  	s9 =	sor.u32 $0xD0000000, s2;
	s6 =	simm.s32 $0x108;
	_ =	swait.ge @!p0 [sflag:s8], $0x0  }
0x24: {  	s3 =	sadd.s32 $0x88, s3;
	s6 =	simm.s32 @!p1 $0x1082;
	[sflag:s4] =	ssyncset.s32 $0xFFFFF086  }
0x25: {  	[simem:s6], [sflag:s4] =	dma.local [hbm:s3], $0xF7A  }
0x26: {  	[smem:$0x3F9B] =	sst s1;
	(tag) =	ssettag s2;
	_ =	strace s9  }
0x27: {  	s1 =	sld [smem:$0x3FAB]  }
0x28: {  	s2 =	sld [smem:$0x3FAC]  }
0x29: {  	s4 =	sld [smem:$0x3FAE]  }
0x2a: {  	p0 =	seq.s32 s5, $0x0;
	s5 =	sld [smem:$0x3FAF]  }
0x2b: {  	s6 =	sld [smem:$0x3FB0]  }
0x2c: {  	s7 =	sld [smem:$0x3FB1]  }
0x2d: {  	s3 =	simm.s32 $0x108;
	s8 =	sld [smem:$0x3FB2]  }
0x2e: {  	s3 =	simm.s32 @!p0 $0x1082;
	s9 =	sld [smem:$0x3FB3]  }
0x2f: {  	lr =	sadd.s32 s0, s3;
	s0 =	sld [smem:$0x3FAA]  }
0x30: {  	s3 =	sld [smem:$0x3FAD]  }
0x31: {  	[smem:$0x3FB6] =	sst s10  }
0x32: {  	s10 =	sld [smem:$0x3FB4];
	_ =	sdelay $0x3  }
0x33: {  	p0 =	seq.s32 s10, $0x1;
	s10 =	sld [smem:$0x3FB6];
	_ =	sdelay $0x3  }
0x34: {  	[smem:$0x3FB6] =	sst s10  }
0x35: {  	s10 =	sld [smem:$0x3FB5];
	_ =	sdelay $0x3  }
0x36: {  	p1 =	seq.s32 s10, $0x1;
	s10 =	sld [smem:$0x3FB6];
	_ =	sdelay $0x3  }
0x37: {  	[smem:$0x3FB6] =	sst s10  }
0x38: {  	s10 =	sld [smem:$0x3FB7]  }
0x39: {  	_ = 	snop;
	(pc) =	sbr.ind lr, $3  }
0x3a: {  	_ = 	snop  }
0x3b: {  	_ = 	snop  }
0x3c: {  	p2 =	seq.s32 s10, $0x1;
	s10 =	sld [smem:$0x3FB6]  }
0x3d: {  	_ =	shalt  }
0x3e: {  	_ =	shalt  }
0x3f: {  	_ =	shalt  }
0x40: {  	_ =	shalt  }
0x41: {  	_ =	shalt  }
0x42: {  	_ =	shalt  }
0x43: {  	_ =	shalt  }
0x44: {  	_ =	shalt  }
0x45: {  	_ =	shalt  }
0x46: {  	_ =	shalt  }
0x47: {  	_ =	shalt  }
0x48: {  	_ =	shalt  }
0x49: {  	_ =	shalt  }
0x4a: {  	_ =	shalt  }
0x4b: {  	_ =	shalt  }
0x4c: {  	_ =	shalt  }
0x4d: {  	_ =	shalt  }
0x4e: {  	_ =	shalt  }
0x4f: {  	_ =	shalt  }
0x50: {  	_ =	shalt  }
0x51: {  	_ =	shalt  }
0x52: {  	_ =	shalt  }
0x53: {  	_ =	shalt  }
0x54: {  	_ =	shalt  }
0x55: {  	_ =	shalt  }
0x56: {  	_ =	shalt  }
0x57: {  	_ =	shalt  }
0x58: {  	_ =	shalt  }
0x59: {  	_ =	shalt  }
0x5a: {  	_ =	shalt  }
0x5b: {  	_ =	shalt  }
0x5c: {  	_ =	shalt  }
0x5d: {  	_ =	shalt  }
0x5e: {  	_ =	shalt  }
0x5f: {  	_ =	shalt  }
0x60: {  	_ =	shalt  }
0x61: {  	_ =	shalt  }
0x62: {  	_ =	shalt  }
0x63: {  	_ =	shalt  }
0x64: {  	_ =	shalt  }
0x65: {  	_ =	shalt  }
0x66: {  	_ =	shalt  }
0x67: {  	_ =	shalt  }
0x68: {  	_ =	shalt  }
0x69: {  	_ =	shalt  }
0x6a: {  	_ =	shalt  }
0x6b: {  	_ =	shalt  }
0x6c: {  	_ =	shalt  }
0x6d: {  	_ =	shalt  }
0x6e: {  	_ =	shalt  }
0x6f: {  	_ =	shalt  }
0x70: {  	_ =	shalt  }
0x71: {  	_ =	shalt  }
0x72: {  	_ =	shalt  }
0x73: {  	_ =	shalt  }
0x74: {  	_ =	shalt  }
0x75: {  	_ =	shalt  }
0x76: {  	_ =	shalt  }
0x77: {  	_ =	shalt  }
0x78: {  	_ =	shalt  }
0x79: {  	_ =	shalt  }
0x7a: {  	_ =	shalt  }
0x7b: {  	_ =	shalt  }
0x7c: {  	_ =	shalt  }
0x7d: {  	_ =	shalt  }
0x7e: {  	_ =	shalt  }
0x7f: {  	_ =	shalt  }
0x80: {  	_ =	shalt  }
0x81: {  	_ =	shalt  }
0x82: {  	_ =	shalt  }
0x83: {  	_ =	shalt  }
0x84: {  	_ =	shalt  }
0x85: {  	_ =	shalt  }
0x86: {  	_ =	shalt  }
0x87: {  	_ =	shalt  }
.Lfunc_end0:
.L_simem_size_0:
called_computation.1_lowered:
.L_overlay_start_0:
0x88: {  	s2 =	sld [smem:$0x3FD9]  }
0x89: {  	s3 =	sld [smem:$0x3FFE];
	_ =	sdelay $0x1  }
0x8a: {  	s1 =	srdreg.scid  }
0x8b: {  	s0 =	sand.u32 $0x1, s1  }
0x8c: {  	s17 =	sshll.u32 s0, $0xA;
	s2 =	sadd.s32 s3, s2  }
0x8d: {  	s2 =	sadd.s32 s2, s17  }
0x8e: {  	[smem:$0x3FC2] =	sst s2  }
0x8f: {  	_ = 	snop  }
0x90: {  	s2 =	sld [smem:$0x3FD0];
	(tm) =	ssettm $0x1  }
0x91: {  	s18 =	sld [smem:$0x3FFB];
	_ =	sdelay $0x3  }
0x92: {  	_ =	strace s18  }
0x93: {  	s3 =	sld [smem:$0x3FFC];
	_ =	sdelay $0x3  }
0x94: {  	_ =	strace s3  }
0x95: {  	s3 =	sld [smem:$0x3FFD];
	_ =	sdelay $0x3  }
0x96: {  	_ =	strace s3  }
0x97: {  	_ =	strace $0x8FFFFFFF  }
0x98: {  	s19 =	sld [smem:$0x3FDB];
	_ =	sdelay $0x1  }
0x99: {  	s4 =	simm.s32 $_scs_section_size  }
0x9a: {  	s5 =	simm.s32 $_size__tile_overlayer_lowered;
	s6 =	simm.s32 $_tile_overlayer_lowered  }
0x9b: {  	s22 =	simm.s32 $0x1BFF;
	s21 =	sshll.u32 s6, $0x1;
	s3 =	sadd.s32 s4, s19  }
0x9c: {  	s7 =	simm.s32 $0x0;
	s20 =	sshll.u32 s5, $0x1;
	s5 =	sadd.s32 s21, s3  }
0x9d: {  	[timem:s7], [sflag:s22] =	dma.local [hbm:s5], s20  }
0x9e: {  	_ =	swait.ge [sflag:s22], s20  }
0x9f: {  	s4 =	ssub.s32 $0x0, s20;
	[sflag:s22] =	ssyncset.done $0x0  }
0xa0: {  	[sflag:s22] =	ssyncadd.s32 s4;
	_ =	sdelay $0x1  }
0xa1: {  	s23 =	simm.s32 $0x1B8B  }
0xa2: {  	_ =	swait.ge [sflag:s23], $0x1  }
0xa3: {  	[sflag:s23] =	ssyncset.done $0x0  }
0xa4: {  	s25 =	simm.s32 $0x1B8E;
	s24 =	sld [smem:$0x3FFE];
	[sflag:s23] =	ssyncadd.s32 $0xFFFFFFFF  }
0xa5: {  	s26 =	simm.s32 $execute0_lowered;
	[smem:$0x3FD2] =	sst s25  }
0xa6: {  	s5 =	sshll.u32 s26, $0x1;
	_ =	strace $0x80000049;
	[dreg:$0x1] =	wrdreg $0xFFFFFFFF  }
0xa7: {  	s28 =	simm.s32 $_size_execute0_lowered;
	s3 =	sadd.s32 s3, s5;
	[dreg:$0x0] =	wrdreg $0x0  }
0xa8: {  	s5 =	sshll.u32 s28, $0x1;
	[dreg:$0x2] =	wrdreg s3  }
0xa9: {  	[dreg:$0x3] =	wrdreg s5  }
0xaa: {  	[dreg:$0x4] =	wrdreg $0xC0  }
0xab: {  	_ =	task [dreg:s7], $0x5FFFF  }
0xac: {  	[dreg:$0x1] =	wrdreg $0xFFFFFFFF  }
0xad: {  	[dreg:$0x0] =	wrdreg $0x60  }
0xae: {  	[dreg:$0x2] =	wrdreg s24  }
0xaf: {  	[dreg:$0x3] =	wrdreg s2  }
0xb0: {  	[dreg:$0x4] =	wrdreg $0x82000  }
0xb1: {  	[dreg:$0x5] =	wrdreg $0x9  }
0xb2: {  	_ =	task.clear_ibuf [dreg:s7], $0x6FFFF;
	_ =	strace $0x90000049  }
0xb3: {  	s29 =	simm.s32 $0x9;
	_ =	strace $0x8000004B  }
0xb4: {  	_ =	swait.ge [sflag:s29], $0x1  }
0xb5: {  	[sflag:s29] =	ssyncadd.s32 $0xFFFFFFFF  }
0xb6: {  	_ =	strace $0x9000004B  }
0xb7: {  	_ =	sfence  }
0xb8: {  	s30 =	sld [smem:$0x0];
	_ =	sdelay $0x2  }
0xb9: {  	s31 =	sshll.u32 s1, $0xD;
	s1 =	sshrl.u32 s1, $0x2  }
0xba: {  	s3 =	sand.u32 $0x4000, s31;
	s1 =	sadd.s32 s1, s30  }
0xbb: {  	s0 =	sor.u32 s3, s0;
	s1 =	sshll.u32 s1, $0x11  }
0xbc: {  	s0 =	sor.u32 s1, s0  }
0xbd: {  	s0 =	sadd.s32 $0x8F2B, s0  }
0xbe: {  	[sflag:s0] =	ssyncadd.remote.s32 $0x1  }
0xbf: {  	_ =	sfence.sel $0xFFFF  }
0xc0: {  	[dreg:$0x0] =	wrdreg $0xFFFFFFFF;
	(pc) =	sbr.abs _section_cstart, $3  }
0xc1: {  	[dreg:$0x1] =	wrdreg $0xFFFFFFFF  }
0xc2: {  	_ =	task.clear_ibuf [dreg:s7], $0x2FFFF;
	_ =	strace $0x9FFFFFFF  }
0xc3: {  	(tm) =	ssettm $0x7FFFFFFF  }
tec
execute0_lowered:
.L_overlay_start_1:
0x0: {  	(tag) =	ssettag $0x1  }
0x1: {  	s5 =	rddreg [dreg:$0x0]  }
0x2: {  	s1 =	rddreg [dreg:$0x1]  }
0x3: {  	s2 =	rddreg [dreg:$0x2]  }
0x4: {  	s0 =	rddreg [dreg:$0x3];
	s3 =	simm.s32 $0x0  }
0x5: {  	s6 =	srdreg.scid;
	s25 =	stileid.u32;
	s18 =	simm.s32 $0x3  }
0x6: {  	s19 =	simm.s32 $0x80;
	s20 =	simm.s32 $0x200;
	s21 =	simm.s32 $0x100  }
0x7: {  	s22 =	simm.s32 $0x180;
	s23 =	simm.s32 $0x1;
	s24 =	simm.s32 $0x4200  }
0x8: {  	s26 =	simm.s32 $0x0;
	[smem:$0x7FF] =	sst s3;
	s4 =	sadd.s32 $0x16000, s5  }
0x9: {  	s13 =	sadd.s32 $0xC000, s5;
	s6 =	sand.u32 $0x1, s6;
	s14 =	sadd.s32 $0x2000, s5  }
0xa: {  	p0 =	seq.s32 s25, $0x0;
	s11 =	smul.u32 $0x50, s25;
	p2 =	sne.s32 s25, $0x0  }
0xb: {  	_ =	strace $0x8000004A;
	s7 =	smul.u32 $0x27100, s6;
	s8 =	sshll.u32 s6, $0x4  }
0xc: {  	s9 =	ssub.s32 $0x2, s6;
	p1 =	seq.s32 s6, $0x1;
	s31 =	smul.u32 $0x500, s6  }
0xd: {  	s15 =	sor.u32 s6, s25;
	s8 =	sor.u32 s25, s8;
	s30 =	sshrl.u32 s9, $0x1  }
0xe: {  	p0 =	por !p0, !p1;
	p1 =	sne.s32 s15, $0x0;
	s7 =	sadd.s32 s7, s5  }
0xf: {  	s10 =	smul.u32 $0x500, s8;
	s9 =	ssub.s32 s9, s30;
	p0 =	por !p0, !p0  }
0x10: {  	s11 =	sadd.s32 s11, s31;
	s15 =	sshll.u32 @!p1 s25, $0x6;
	s25 =	simm.s32 $0x2  }
0x11: {  	s7 =	sadd.s32 $0x3D200, s7;
	s8 =	smax.u32 s9, $0x1;
	s16 =	sshll.u32 s11, $0x4  }
0x12: {  	s15 =	sor.u32 @!p1 $0x1C03, s15;
	s17 =	sshrl.u32 @p0 s2, $0x3;
	s5 =	sadd.s32 s13, s10  }
0x13: {  	s6 =	sadd.s32 s14, s10;
	s10 =	sadd.s32 $0x4F0, s10;
	s12 =	sor.u32 $0x20, s16  }
0x14: {  	s9 =	sadd.s32 s13, s10;
	s10 =	sadd.s32 s14, s10;
	s11 =	sadd.s32 s12, s13  }
0x15: {  	s12 =	sadd.s32 s12, s14;
	s13 =	sadd.s32 s16, s13;
	s14 =	sadd.s32 s16, s14  }
0x16: {  	s16 =	sshrl.u32 @!p1 s2, $0x3;
	s13 =	sadd.s32 $0x10, s13;
	s14 =	sadd.s32 $0x10, s14  }
.LBB2_1:
0x17: {  	[spmem:s16], [sflag:s15] =	dma.local @!p1 [hbm:s4], $0x27100  }
0x18: {  	s28 =	simm.s32 @!p1 $0x3  }
0x19: {  	_ =	swait.ge @!p1 [sflag:s28], $0x27100  }
0x1a: {  	[sflag:s28] =	ssyncset.done @!p1 $0x0  }
0x1b: {  	[sflag:s28] =	ssyncadd.s32 @!p1 $0xFFFD8F00;
	s28 =	simm.s32 @p0 $0x1C03  }
0x1c: {  	[spmem:s17], [sflag:s28] =	dma.local @p0 [hbm:s1], $0x27100  }
0x1d: {  	s28 =	simm.s32 @p0 $0x3  }
0x1e: {  	_ =	swait.ge @p0 [sflag:s28], $0x27100  }
0x1f: {  	[sflag:s28] =	ssyncset.done @p0 $0x0  }
0x20: {  	[sflag:s28] =	ssyncadd.s32 @p0 $0xFFFD8F00  }
0x21: {  	[bflag:$0x0] =	sbarrier.arrive $0xFFFF  }
0x22: {  	[tilespmem:s3], [sflag:$0x3] =	stream.linear.gather [hbm4b:s5+s3], $0x80, $0x38;
	[tilespmem:$0x1FA80] =	vst v63  }
0x23: {  	_ =	swait.ge [sflag:s18], $0x80  }
0x24: {  	[sflag:s18] =	ssyncset.done $0x0  }
0x25: {  	[sflag:s18] =	ssyncadd.s32 $0xFFFFFF80  }
0x26: {  	[tilespmem:s19], [sflag:$0x3] =	stream.linear.gather [hbm4b:s6+s3], $0x80, $0x38;
	[tilespmem:$0x1FA80] =	vst v63  }
0x27: {  	_ =	swait.ge [sflag:s18], $0x80  }
0x28: {  	[sflag:s18] =	ssyncset.done $0x0  }
0x29: {  	[sflag:s18] =	ssyncadd.s32 $0xFFFFFF80  }
0x2a: {  	[tilespmem:s20], [sflag:$0x1] =	stream.indirect.gather [hbm4b:s4+s19], $0x80, s3, s19, $0xb8;
	[tilespmem:$0x1FA80] =	vst v63  }
0x2b: {  	s28 =	sadd.s32 $0x0, s13  }
0x2c: {  	[tilespmem:s21], [sflag:$0x3] =	stream.linear.gather [hbm4b:s28+s3], $0x80, $0x38;
	[tilespmem:$0x1FA80] =	vst v63  }
0x2d: {  	_ =	swait.ge [sflag:s18], $0x80  }
0x2e: {  	[sflag:s18] =	ssyncset.done $0x0  }
0x2f: {  	s28 =	sadd.s32 $0x0, s14;
	[sflag:s18] =	ssyncadd.s32 $0xFFFFFF80  }
0x30: {  	[tilespmem:s22], [sflag:$0x3] =	stream.linear.gather [hbm4b:s28+s3], $0x80, $0x38;
	[tilespmem:$0x1FA80] =	vst v63  }
0x31: {  	_ =	swait.ge [sflag:s18], $0x80  }
0x32: {  	[sflag:s18] =	ssyncset.done $0x0  }
0x33: {  	[sflag:s18] =	ssyncadd.s32 $0xFFFFFF80  }
0x34: {  	_ =	swait.ge [sflag:s23], $0x4000  }
0x35: {  	[sflag:s23] =	ssyncset.done $0x0  }
0x36: {  	[sflag:s23] =	ssyncadd.s32 $0xFFFFC000  }
0x37: {  	[tilespmem:s24], [sflag:$0x2] =	stream.indirect.gather [hbm4b:s4+s19], $0x80, s21, s19, $0xb8;
	[tilespmem:$0x1FA80] =	vst v63  }
0x38: {  	_ = 	snop  }
0x39: {  	[spmem:s2] =	stream.indirect.scatter.add.f32 [tilespmem:s20], [sflag:$0x3], $0x80, s19, s19, $0xb8;
	[tilespmem:$0x1FA80] =	vst v63  }
0x3a: {  	_ =	swait.ge [sflag:s18], $0x4000  }
0x3b: {  	[sflag:s18] =	ssyncset.done $0x0  }
0x3c: {  	s28 =	sadd.s32 $0x0, s11;
	[sflag:s18] =	ssyncadd.s32 $0xFFFFC000  }
0x3d: {  	[tilespmem:s3], [sflag:$0x3] =	stream.linear.gather [hbm4b:s28+s3], $0x80, $0x38;
	[tilespmem:$0x1FA80] =	vst v63  }
0x3e: {  	_ =	swait.ge [sflag:s18], $0x80  }
0x3f: {  	[sflag:s18] =	ssyncset.done $0x0  }
0x40: {  	s28 =	sadd.s32 $0x0, s12;
	[sflag:s18] =	ssyncadd.s32 $0xFFFFFF80  }
0x41: {  	[tilespmem:s19], [sflag:$0x3] =	stream.linear.gather [hbm4b:s28+s3], $0x80, $0x38;
	[tilespmem:$0x1FA80] =	vst v63  }
0x42: {  	_ =	swait.ge [sflag:s18], $0x80  }
0x43: {  	[sflag:s18] =	ssyncset.done $0x0  }
0x44: {  	[sflag:s18] =	ssyncadd.s32 $0xFFFFFF80  }
0x45: {  	_ =	swait.ge [sflag:s25], $0x4000  }
0x46: {  	[sflag:s25] =	ssyncset.done $0x0  }
0x47: {  	[sflag:s25] =	ssyncadd.s32 $0xFFFFC000  }
0x48: {  	[tilespmem:s20], [sflag:$0x1] =	stream.indirect.gather [hbm4b:s4+s19], $0x80, s3, s19, $0xb8;
	[tilespmem:$0x1FA80] =	vst v63  }
0x49: {  	_ = 	snop  }
0x4a: {  	[spmem:s2] =	stream.indirect.scatter.add.f32 [tilespmem:s24], [sflag:$0x3], $0x80, s22, s19, $0xb8;
	[tilespmem:$0x1FA80] =	vst v63  }
0x4b: {  	_ =	swait.ge [sflag:s18], $0x4000  }
0x4c: {  	s28 =	simm.s32 $0x20;
	[sflag:s18] =	ssyncset.done $0x0  }
.LBB2_2:
0x4d: {  	p3 =	sne.s32 s28, $0x4C0  }
0x4e: {  	[sflag:s18] =	ssyncadd.s32 $0xFFFFC000;
	s29 =	smov.u32 s28;
	s28 =	sadd.s32 $0x20, s28  }
0x4f: {  	s30 =	sadd.s32 s29, s13  }
0x50: {  	[tilespmem:s21], [sflag:$0x3] =	stream.linear.gather [hbm4b:s30+s3], $0x80, $0x38;
	[tilespmem:$0x1FA80] =	vst v63  }
0x51: {  	_ =	swait.ge [sflag:s18], $0x80  }
0x52: {  	[sflag:s18] =	ssyncset.done $0x0  }
0x53: {  	s30 =	sadd.s32 s29, s14;
	[sflag:s18] =	ssyncadd.s32 $0xFFFFFF80  }
0x54: {  	[tilespmem:s22], [sflag:$0x3] =	stream.linear.gather [hbm4b:s30+s3], $0x80, $0x38;
	[tilespmem:$0x1FA80] =	vst v63  }
0x55: {  	_ =	swait.ge [sflag:s18], $0x80  }
0x56: {  	[sflag:s18] =	ssyncset.done $0x0  }
0x57: {  	[sflag:s18] =	ssyncadd.s32 $0xFFFFFF80  }
0x58: {  	_ =	swait.ge [sflag:s23], $0x4000  }
0x59: {  	[sflag:s23] =	ssyncset.done $0x0  }
0x5a: {  	[sflag:s23] =	ssyncadd.s32 $0xFFFFC000  }
0x5b: {  	[tilespmem:s24], [sflag:$0x2] =	stream.indirect.gather [hbm4b:s4+s19], $0x80, s21, s19, $0xb8;
	[tilespmem:$0x1FA80] =	vst v63  }
0x5c: {  	_ = 	snop  }
0x5d: {  	[spmem:s2] =	stream.indirect.scatter.add.f32 [tilespmem:s20], [sflag:$0x3], $0x80, s19, s19, $0xb8;
	[tilespmem:$0x1FA80] =	vst v63  }
0x5e: {  	_ =	swait.ge [sflag:s18], $0x4000  }
0x5f: {  	[sflag:s18] =	ssyncset.done $0x0  }
0x60: {  	s30 =	sadd.s32 s29, s11;
	[sflag:s18] =	ssyncadd.s32 $0xFFFFC000  }
0x61: {  	[tilespmem:s3], [sflag:$0x3] =	stream.linear.gather [hbm4b:s30+s3], $0x80, $0x38;
	[tilespmem:$0x1FA80] =	vst v63  }
0x62: {  	_ =	swait.ge [sflag:s18], $0x80  }
0x63: {  	[sflag:s18] =	ssyncset.done $0x0  }
0x64: {  	s29 =	sadd.s32 s29, s12;
	[sflag:s18] =	ssyncadd.s32 $0xFFFFFF80  }
0x65: {  	[tilespmem:s19], [sflag:$0x3] =	stream.linear.gather [hbm4b:s29+s3], $0x80, $0x38;
	[tilespmem:$0x1FA80] =	vst v63  }
0x66: {  	_ =	swait.ge [sflag:s18], $0x80  }
0x67: {  	[sflag:s18] =	ssyncset.done $0x0  }
0x68: {  	[sflag:s18] =	ssyncadd.s32 $0xFFFFFF80  }
0x69: {  	_ =	swait.ge [sflag:s25], $0x4000  }
0x6a: {  	[sflag:s25] =	ssyncset.done $0x0  }
0x6b: {  	[sflag:s25] =	ssyncadd.s32 $0xFFFFC000  }
0x6c: {  	[tilespmem:s20], [sflag:$0x1] =	stream.indirect.gather [hbm4b:s4+s19], $0x80, s3, s19, $0xb8;
	[tilespmem:$0x1FA80] =	vst v63  }
.Ltmp0:
0x6d: {  	_ = 	snop;
	(pc) =	sbr.rel @p3 .LBB2_2-.Ltmp0, $4  }
0x6e: {  	_ = 	snop  }
0x6f: {  	[spmem:s2] =	stream.indirect.scatter.add.f32 [tilespmem:s24], [sflag:$0x3], $0x80, s22, s19, $0xb8;
	[tilespmem:$0x1FA80] =	vst v63  }
0x70: {  	_ =	swait.ge [sflag:s18], $0x4000  }
0x71: {  	[sflag:s18] =	ssyncset.done $0x0  }
0x72: {  	[sflag:s18] =	ssyncadd.s32 $0xFFFFC000  }
0x73: {  	[tilespmem:s21], [sflag:$0x3] =	stream.linear.gather [hbm4b:s9+s3], $0x80, $0x38;
	[tilespmem:$0x1FA80] =	vst v63  }
0x74: {  	_ =	swait.ge [sflag:s18], $0x80  }
0x75: {  	[sflag:s18] =	ssyncset.done $0x0  }
0x76: {  	[sflag:s18] =	ssyncadd.s32 $0xFFFFFF80  }
0x77: {  	[tilespmem:s22], [sflag:$0x3] =	stream.linear.gather [hbm4b:s10+s3], $0x80, $0x38;
	[tilespmem:$0x1FA80] =	vst v63  }
0x78: {  	_ =	swait.ge [sflag:s18], $0x80  }
0x79: {  	[sflag:s18] =	ssyncset.done $0x0  }
0x7a: {  	[sflag:s18] =	ssyncadd.s32 $0xFFFFFF80  }
0x7b: {  	_ =	swait.ge [sflag:s23], $0x4000  }
0x7c: {  	[sflag:s23] =	ssyncset.done $0x0  }
0x7d: {  	[sflag:s23] =	ssyncadd.s32 $0xFFFFC000  }
0x7e: {  	[tilespmem:s24], [sflag:$0x2] =	stream.indirect.gather [hbm4b:s4+s19], $0x80, s21, s19, $0xb8;
	[tilespmem:$0x1FA80] =	vst v63  }
0x7f: {  	_ = 	snop  }
0x80: {  	[spmem:s2] =	stream.indirect.scatter.add.f32 [tilespmem:s20], [sflag:$0x3], $0x80, s19, s19, $0xb8;
	[tilespmem:$0x1FA80] =	vst v63  }
0x81: {  	_ =	swait.ge [sflag:s18], $0x4000  }
0x82: {  	[sflag:s18] =	ssyncset.done $0x0  }
0x83: {  	[sflag:s18] =	ssyncadd.s32 $0xFFFFC000  }
0x84: {  	_ =	swait.ge [sflag:s25], $0x4000  }
0x85: {  	[sflag:s25] =	ssyncset.done $0x0  }
0x86: {  	[sflag:s25] =	ssyncadd.s32 $0xFFFFC000  }
0x87: {  	[spmem:s2] =	stream.indirect.scatter.add.f32 [tilespmem:s24], [sflag:$0x3], $0x80, s22, s19, $0xb8;
	[tilespmem:$0x1FA80] =	vst v63  }
0x88: {  	_ =	swait.ge [sflag:s18], $0x4000  }
0x89: {  	[sflag:s18] =	ssyncset.done $0x0  }
0x8a: {  	s28 =	sshrl.u32 @!p2 s2, $0x3;
	s26 =	sadd.s32 $0x1, s26;
	[sflag:s18] =	ssyncadd.s32 $0xFFFFC000  }
0x8b: {  	s29 =	simm.s32 @!p2 $0x1C03;
	p3 =	sne.s32 s26, s8;
	[bflag:$0x0] =	sbarrier.arrive $0xFFFF  }
0x8c: {  	[hbm:s7], [sflag:s29] =	dma.local @!p2 [spmem:s28], $0x27100  }
.Ltmp1:
0x8d: {  	_ = 	snop;
	(pc) =	sbr.rel @p3 .LBB2_1-.Ltmp1, $4  }
0x8e: {  	s28 =	simm.s32 @!p2 $0x3  }
0x8f: {  	_ =	swait.ge @!p2 [sflag:s28], $0x27100  }
0x90: {  	[sflag:s28] =	ssyncset.done @!p2 $0x0  }
0x91: {  	[sflag:s28] =	ssyncadd.s32 @!p2 $0xFFFD8F00  }
0x92: {  	_ =	sfence.sel $0x180000  }
0x93: {  	[bflag:$0x0] =	sbarrier.arrive $0xFFFF  }
0x94: {  	_ =	strace $0x9000004A  }
0x95: {  	s0 =	sadd.s32 @!p2 $0x100000, s0;
	[bflag:$0x2] =	sbarrier.arrive $0xFFFF  }
0x96: {  	[sflag:s0] =	ssyncadd.tile.s32 @!p2 $0x1;
	_ =	shalt  }
.Lfunc_end2:
_tile_overlayer_lowered:
.L_overlay_start_2:
0x97: {  	(tag) =	ssettag $0x2  }
0x98: {  	s0 =	rddreg [dreg:$0x0];
	s2 =	stileid.u32  }
0x99: {  	s1 =	rddreg [dreg:$0x1];
	p0 =	sne.s32 s2, $0x0  }
0x9a: {  	s3 =	rddreg [dreg:$0x2];
	[bflag:$0x3] =	sbarrier.arrive $0xFFFF;
	s2 =	simm.s32 @!p0 $0x1C03  }
0x9b: {  	[timem:s3], [sflag:s2] =	dma.local @!p0 [hbm:s0], s1  }
0x9c: {  	s0 =	simm.s32 @!p0 $0x3  }
0x9d: {  	_ =	swait.ge @!p0 [sflag:s0], s1  }
0x9e: {  	s1 =	ssub.s32 @!p0 $0x0, s1;
	[sflag:s0] =	ssyncset.done @!p0 $0x0  }
0x9f: {  	[sflag:s0] =	ssyncadd.s32 @!p0 s1  }
0xa0: {  	[bflag:$0x3] =	sbarrier.arrive $0xFFFF  }
0xa1: {  	_ =	shalt  }

// kernel: kernel.15.cloned.1.call-start
scs
__scs_entry_jumppad:
0x0: {  	(pc) =	sbr.rel $0x88, $3  }
0x1: {  	(tag) =	ssettag $0x0;
	lr =	simm.s32 $0x1  }
0x2: {  	[smem:$0x3F9B] =	sst lr;
	_ =	strace $0xD0000000  }
0x3: {  	_ = 	snop  }
0x4: {  	_ = 	snop  }
0x5: {  	_ = 	snop  }
0x6: {  	_ = 	snop  }
0x7: {  	_ = 	snop  }
__scs_overlays_trampoline_lowered:
0x8: {  	[smem:$0x3FAA] =	sst s0  }
0x9: {  	[smem:$0x3FAB] =	sst s1  }
0xa: {  	[smem:$0x3FAC] =	sst s2  }
0xb: {  	[smem:$0x3FAD] =	sst s3  }
0xc: {  	[smem:$0x3FAE] =	sst s4  }
0xd: {  	[smem:$0x3FAF] =	sst s5  }
0xe: {  	[smem:$0x3FB0] =	sst s6  }
0xf: {  	[smem:$0x3FB1] =	sst s7  }
0x10: {  	[smem:$0x3FB2] =	sst s8  }
0x11: {  	[smem:$0x3FB3] =	sst s9;
	s0 =	simm.s32 @!p0 $0x0  }
0x12: {  	s1 =	sld [smem:$0x3F99];
	s0 =	simm.s32 @p0 $0x1  }
0x13: {  	[smem:$0x3FB4] =	sst s0;
	s0 =	simm.s32 @!p1 $0x0  }
0x14: {  	s2 =	sld [smem:$0x3F98];
	s0 =	simm.s32 @p1 $0x1  }
0x15: {  	[smem:$0x3FB5] =	sst s0;
	s0 =	simm.s32 @!p2 $0x0  }
0x16: {  	s3 =	sld [smem:$0x3FDB];
	s0 =	simm.s32 @p2 $0x1  }
0x17: {  	s4 =	simm.s32 $0x1BF5;
	[smem:$0x3FB7] =	sst s0  }
0x18: {  	s0 =	sld [smem:$0x3F9A];
	_ =	swait.ge [sflag:s4], $0x0  }
0x19: {  	s7 =	sld [smem:$0x3F9B]  }
0x1a: {  	s8 =	sadd.s32 $0xFFFFE003, lr  }
0x1b: {  	s9 =	sadd.s32 $0xFFFFFEF7, lr;
	s5 =	simm.s32 $0xFFFFFFFF;
	p2 =	slt.u32 s8, $0xFFFFF086  }
0x1c: {  	p1 =	slt.u32 s9, $0xF7A;
	s5 =	simm.s32 @!p2 $0x0  }
0x1d: {  	s5 =	simm.s32 @p1 $0x1;
	p0 =	seq.s32 s7, s2  }
0x1e: {  	s7 =	smul.u32 @!p0 $0xF7A, s2;
	p2 =	seq.s32 @!p0 s5, $0x0  }
0x1f: {  	s9 =	smul.u32 $0xF7A, s1;
	s8 =	simm.s32 @!p0 $0x1BF5;
	p2 =	por !p2, p0  }
0x20: {  	[sflag:s8] =	ssyncset.s32 @!p0 $0xFFFFF086;
	s6 =	sadd.s32 @!p0 s3, s7;
	s7 =	simm.s32 @!p0 $0x108  }
0x21: {  	s3 =	sadd.s32 s3, s9;
	s6 =	sadd.s32 @!p0 $0x88, s6;
	s7 =	simm.s32 @p2 $0x1082  }
0x22: {  	[simem:s7], [sflag:s8] =	dma.local @!p0 [hbm:s6], $0xF7A  }
0x23: {  	s9 =	sor.u32 $0xD0000000, s2;
	s6 =	simm.s32 $0x108;
	_ =	swait.ge @!p0 [sflag:s8], $0x0  }
0x24: {  	s3 =	sadd.s32 $0x88, s3;
	s6 =	simm.s32 @!p1 $0x1082;
	[sflag:s4] =	ssyncset.s32 $0xFFFFF086  }
0x25: {  	[simem:s6], [sflag:s4] =	dma.local [hbm:s3], $0xF7A  }
0x26: {  	[smem:$0x3F9B] =	sst s1;
	(tag) =	ssettag s2;
	_ =	strace s9  }
0x27: {  	s1 =	sld [smem:$0x3FAB]  }
0x28: {  	s2 =	sld [smem:$0x3FAC]  }
0x29: {  	s4 =	sld [smem:$0x3FAE]  }
0x2a: {  	p0 =	seq.s32 s5, $0x0;
	s5 =	sld [smem:$0x3FAF]  }
0x2b: {  	s6 =	sld [smem:$0x3FB0]  }
0x2c: {  	s7 =	sld [smem:$0x3FB1]  }
0x2d: {  	s3 =	simm.s32 $0x108;
	s8 =	sld [smem:$0x3FB2]  }
0x2e: {  	s3 =	simm.s32 @!p0 $0x1082;
	s9 =	sld [smem:$0x3FB3]  }
0x2f: {  	lr =	sadd.s32 s0, s3;
	s0 =	sld [smem:$0x3FAA]  }
0x30: {  	s3 =	sld [smem:$0x3FAD]  }
0x31: {  	[smem:$0x3FB6] =	sst s10  }
0x32: {  	s10 =	sld [smem:$0x3FB4];
	_ =	sdelay $0x3  }
0x33: {  	p0 =	seq.s32 s10, $0x1;
	s10 =	sld [smem:$0x3FB6];
	_ =	sdelay $0x3  }
0x34: {  	[smem:$0x3FB6] =	sst s10  }
0x35: {  	s10 =	sld [smem:$0x3FB5];
	_ =	sdelay $0x3  }
0x36: {  	p1 =	seq.s32 s10, $0x1;
	s10 =	sld [smem:$0x3FB6];
	_ =	sdelay $0x3  }
0x37: {  	[smem:$0x3FB6] =	sst s10  }
0x38: {  	s10 =	sld [smem:$0x3FB7]  }
0x39: {  	_ = 	snop;
	(pc) =	sbr.ind lr, $3  }
0x3a: {  	_ = 	snop  }
0x3b: {  	_ = 	snop  }
0x3c: {  	p2 =	seq.s32 s10, $0x1;
	s10 =	sld [smem:$0x3FB6]  }
0x3d: {  	_ =	shalt  }
0x3e: {  	_ =	shalt  }
0x3f: {  	_ =	shalt  }
0x40: {  	_ =	shalt  }
0x41: {  	_ =	shalt  }
0x42: {  	_ =	shalt  }
0x43: {  	_ =	shalt  }
0x44: {  	_ =	shalt  }
0x45: {  	_ =	shalt  }
0x46: {  	_ =	shalt  }
0x47: {  	_ =	shalt  }
0x48: {  	_ =	shalt  }
0x49: {  	_ =	shalt  }
0x4a: {  	_ =	shalt  }
0x4b: {  	_ =	shalt  }
0x4c: {  	_ =	shalt  }
0x4d: {  	_ =	shalt  }
0x4e: {  	_ =	shalt  }
0x4f: {  	_ =	shalt  }
0x50: {  	_ =	shalt  }
0x51: {  	_ =	shalt  }
0x52: {  	_ =	shalt  }
0x53: {  	_ =	shalt  }
0x54: {  	_ =	shalt  }
0x55: {  	_ =	shalt  }
0x56: {  	_ =	shalt  }
0x57: {  	_ =	shalt  }
0x58: {  	_ =	shalt  }
0x59: {  	_ =	shalt  }
0x5a: {  	_ =	shalt  }
0x5b: {  	_ =	shalt  }
0x5c: {  	_ =	shalt  }
0x5d: {  	_ =	shalt  }
0x5e: {  	_ =	shalt  }
0x5f: {  	_ =	shalt  }
0x60: {  	_ =	shalt  }
0x61: {  	_ =	shalt  }
0x62: {  	_ =	shalt  }
0x63: {  	_ =	shalt  }
0x64: {  	_ =	shalt  }
0x65: {  	_ =	shalt  }
0x66: {  	_ =	shalt  }
0x67: {  	_ =	shalt  }
0x68: {  	_ =	shalt  }
0x69: {  	_ =	shalt  }
0x6a: {  	_ =	shalt  }
0x6b: {  	_ =	shalt  }
0x6c: {  	_ =	shalt  }
0x6d: {  	_ =	shalt  }
0x6e: {  	_ =	shalt  }
0x6f: {  	_ =	shalt  }
0x70: {  	_ =	shalt  }
0x71: {  	_ =	shalt  }
0x72: {  	_ =	shalt  }
0x73: {  	_ =	shalt  }
0x74: {  	_ =	shalt  }
0x75: {  	_ =	shalt  }
0x76: {  	_ =	shalt  }
0x77: {  	_ =	shalt  }
0x78: {  	_ =	shalt  }
0x79: {  	_ =	shalt  }
0x7a: {  	_ =	shalt  }
0x7b: {  	_ =	shalt  }
0x7c: {  	_ =	shalt  }
0x7d: {  	_ =	shalt  }
0x7e: {  	_ =	shalt  }
0x7f: {  	_ =	shalt  }
0x80: {  	_ =	shalt  }
0x81: {  	_ =	shalt  }
0x82: {  	_ =	shalt  }
0x83: {  	_ =	shalt  }
0x84: {  	_ =	shalt  }
0x85: {  	_ =	shalt  }
0x86: {  	_ =	shalt  }
0x87: {  	_ =	shalt  }
.Lfunc_end0:
.L_simem_size_0:
called_computation.2_lowered:
.L_overlay_start_0:
0x88: {  	s2 =	sld [smem:$0x3FD9]  }
0x89: {  	s3 =	sld [smem:$0x3FFE];
	_ =	sdelay $0x1  }
0x8a: {  	s1 =	srdreg.scid  }
0x8b: {  	s0 =	sand.u32 $0x1, s1  }
0x8c: {  	s17 =	sshll.u32 s0, $0xA;
	s2 =	sadd.s32 s3, s2  }
0x8d: {  	s2 =	sadd.s32 s2, s17  }
0x8e: {  	[smem:$0x3FC2] =	sst s2  }
0x8f: {  	_ = 	snop  }
0x90: {  	s2 =	sld [smem:$0x3FD0];
	(tm) =	ssettm $0x1  }
0x91: {  	s18 =	sld [smem:$0x3FFB];
	_ =	sdelay $0x3  }
0x92: {  	_ =	strace s18  }
0x93: {  	s3 =	sld [smem:$0x3FFC];
	_ =	sdelay $0x3  }
0x94: {  	_ =	strace s3  }
0x95: {  	s3 =	sld [smem:$0x3FFD];
	_ =	sdelay $0x3  }
0x96: {  	_ =	strace s3  }
0x97: {  	_ =	strace $0x8FFFFFFF  }
0x98: {  	s19 =	sld [smem:$0x3FDB];
	_ =	sdelay $0x1  }
0x99: {  	s4 =	simm.s32 $_scs_section_size  }
0x9a: {  	s5 =	simm.s32 $_size__tile_overlayer_lowered;
	s6 =	simm.s32 $_tile_overlayer_lowered  }
0x9b: {  	s22 =	simm.s32 $0x1BFF;
	s21 =	sshll.u32 s6, $0x1;
	s3 =	sadd.s32 s4, s19  }
0x9c: {  	s7 =	simm.s32 $0x0;
	s20 =	sshll.u32 s5, $0x1;
	s5 =	sadd.s32 s21, s3  }
0x9d: {  	[timem:s7], [sflag:s22] =	dma.local [hbm:s5], s20  }
0x9e: {  	_ =	swait.ge [sflag:s22], s20  }
0x9f: {  	s4 =	ssub.s32 $0x0, s20;
	[sflag:s22] =	ssyncset.done $0x0  }
0xa0: {  	[sflag:s22] =	ssyncadd.s32 s4;
	_ =	sdelay $0x1  }
0xa1: {  	s23 =	simm.s32 $0x1B8B  }
0xa2: {  	_ =	swait.ge [sflag:s23], $0x1  }
0xa3: {  	[sflag:s23] =	ssyncset.done $0x0  }
0xa4: {  	s25 =	simm.s32 $0x1B8E;
	s24 =	sld [smem:$0x3FFE];
	[sflag:s23] =	ssyncadd.s32 $0xFFFFFFFF  }
0xa5: {  	s26 =	simm.s32 $execute0_lowered;
	[smem:$0x3FD2] =	sst s25  }
0xa6: {  	s5 =	sshll.u32 s26, $0x1;
	_ =	strace $0x8000004C;
	[dreg:$0x1] =	wrdreg $0xFFFFFFFF  }
0xa7: {  	s28 =	simm.s32 $_size_execute0_lowered;
	s3 =	sadd.s32 s3, s5;
	[dreg:$0x0] =	wrdreg $0x0  }
0xa8: {  	s5 =	sshll.u32 s28, $0x1;
	[dreg:$0x2] =	wrdreg s3  }
0xa9: {  	[dreg:$0x3] =	wrdreg s5  }
0xaa: {  	[dreg:$0x4] =	wrdreg $0xC0  }
0xab: {  	_ =	task [dreg:s7], $0x5FFFF  }
0xac: {  	[dreg:$0x1] =	wrdreg $0xFFFFFFFF  }
0xad: {  	[dreg:$0x0] =	wrdreg $0x60  }
0xae: {  	[dreg:$0x2] =	wrdreg s24  }
0xaf: {  	[dreg:$0x3] =	wrdreg s2  }
0xb0: {  	[dreg:$0x4] =	wrdreg $0x82000  }
0xb1: {  	[dreg:$0x5] =	wrdreg $0x9  }
0xb2: {  	_ =	task.clear_ibuf [dreg:s7], $0x6FFFF;
	_ =	strace $0x9000004C  }
0xb3: {  	s29 =	simm.s32 $0x9;
	_ =	strace $0x8000004E  }
0xb4: {  	_ =	swait.ge [sflag:s29], $0x1  }
0xb5: {  	[sflag:s29] =	ssyncadd.s32 $0xFFFFFFFF  }
0xb6: {  	_ =	strace $0x9000004E  }
0xb7: {  	_ =	sfence  }
0xb8: {  	s30 =	sld [smem:$0x0];
	_ =	sdelay $0x2  }
0xb9: {  	s31 =	sshll.u32 s1, $0xD;
	s1 =	sshrl.u32 s1, $0x2  }
0xba: {  	s3 =	sand.u32 $0x4000, s31;
	s1 =	sadd.s32 s1, s30  }
0xbb: {  	s0 =	sor.u32 s3, s0;
	s1 =	sshll.u32 s1, $0x11  }
0xbc: {  	s0 =	sor.u32 s1, s0  }
0xbd: {  	s0 =	sadd.s32 $0x8F2B, s0  }
0xbe: {  	[sflag:s0] =	ssyncadd.remote.s32 $0x1  }
0xbf: {  	_ =	sfence.sel $0xFFFF  }
0xc0: {  	[dreg:$0x0] =	wrdreg $0xFFFFFFFF;
	(pc) =	sbr.abs _section_cstart, $3  }
0xc1: {  	[dreg:$0x1] =	wrdreg $0xFFFFFFFF  }
0xc2: {  	_ =	task.clear_ibuf [dreg:s7], $0x2FFFF;
	_ =	strace $0x9FFFFFFF  }
0xc3: {  	(tm) =	ssettm $0x7FFFFFFF  }
tec
execute0_lowered:
.L_overlay_start_1:
0x0: {  	(tag) =	ssettag $0x1  }
0x1: {  	s5 =	rddreg [dreg:$0x0]  }
0x2: {  	s1 =	rddreg [dreg:$0x1]  }
0x3: {  	s2 =	rddreg [dreg:$0x2]  }
0x4: {  	s0 =	rddreg [dreg:$0x3];
	s3 =	simm.s32 $0x0  }
0x5: {  	s6 =	srdreg.scid;
	s25 =	stileid.u32;
	s18 =	simm.s32 $0x3  }
0x6: {  	s19 =	simm.s32 $0x80;
	s20 =	simm.s32 $0x200;
	s21 =	simm.s32 $0x100  }
0x7: {  	s22 =	simm.s32 $0x180;
	s23 =	simm.s32 $0x1;
	s24 =	simm.s32 $0x4200  }
0x8: {  	s26 =	simm.s32 $0x0;
	[smem:$0x7FF] =	sst s3;
	s4 =	sadd.s32 $0x16000, s5  }
0x9: {  	s13 =	sadd.s32 $0xC000, s5;
	s6 =	sand.u32 $0x1, s6;
	s14 =	sadd.s32 $0x2000, s5  }
0xa: {  	p0 =	seq.s32 s25, $0x0;
	s11 =	smul.u32 $0x50, s25;
	p2 =	sne.s32 s25, $0x0  }
0xb: {  	_ =	strace $0x8000004D;
	s7 =	smul.u32 $0x27100, s6;
	s8 =	sshll.u32 s6, $0x4  }
0xc: {  	s9 =	ssub.s32 $0x2, s6;
	p1 =	seq.s32 s6, $0x1;
	s31 =	smul.u32 $0x500, s6  }
0xd: {  	s15 =	sor.u32 s6, s25;
	s8 =	sor.u32 s25, s8;
	s30 =	sshrl.u32 s9, $0x1  }
0xe: {  	p0 =	por !p0, !p1;
	p1 =	sne.s32 s15, $0x0;
	s7 =	sadd.s32 s7, s5  }
0xf: {  	s10 =	smul.u32 $0x500, s8;
	s9 =	ssub.s32 s9, s30;
	p0 =	por !p0, !p0  }
0x10: {  	s11 =	sadd.s32 s11, s31;
	s15 =	sshll.u32 @!p1 s25, $0x6;
	s25 =	simm.s32 $0x2  }
0x11: {  	s7 =	sadd.s32 $0x3D200, s7;
	s8 =	smax.u32 s9, $0x1;
	s16 =	sshll.u32 s11, $0x4  }
0x12: {  	s15 =	sor.u32 @!p1 $0x1C03, s15;
	s17 =	sshrl.u32 @p0 s2, $0x3;
	s5 =	sadd.s32 s13, s10  }
0x13: {  	s6 =	sadd.s32 s14, s10;
	s10 =	sadd.s32 $0x4F0, s10;
	s12 =	sor.u32 $0x20, s16  }
0x14: {  	s9 =	sadd.s32 s13, s10;
	s10 =	sadd.s32 s14, s10;
	s11 =	sadd.s32 s12, s13  }
0x15: {  	s12 =	sadd.s32 s12, s14;
	s13 =	sadd.s32 s16, s13;
	s14 =	sadd.s32 s16, s14  }
0x16: {  	s16 =	sshrl.u32 @!p1 s2, $0x3;
	s13 =	sadd.s32 $0x10, s13;
	s14 =	sadd.s32 $0x10, s14  }
.LBB2_1:
0x17: {  	[spmem:s16], [sflag:s15] =	dma.local @!p1 [hbm:s4], $0x27100  }
0x18: {  	s28 =	simm.s32 @!p1 $0x3  }
0x19: {  	_ =	swait.ge @!p1 [sflag:s28], $0x27100  }
0x1a: {  	[sflag:s28] =	ssyncset.done @!p1 $0x0  }
0x1b: {  	[sflag:s28] =	ssyncadd.s32 @!p1 $0xFFFD8F00;
	s28 =	simm.s32 @p0 $0x1C03  }
0x1c: {  	[spmem:s17], [sflag:s28] =	dma.local @p0 [hbm:s1], $0x27100  }
0x1d: {  	s28 =	simm.s32 @p0 $0x3  }
0x1e: {  	_ =	swait.ge @p0 [sflag:s28], $0x27100  }
0x1f: {  	[sflag:s28] =	ssyncset.done @p0 $0x0  }
0x20: {  	[sflag:s28] =	ssyncadd.s32 @p0 $0xFFFD8F00  }
0x21: {  	[bflag:$0x0] =	sbarrier.arrive $0xFFFF  }
0x22: {  	[tilespmem:s3], [sflag:$0x3] =	stream.linear.gather [hbm4b:s5+s3], $0x80, $0x38;
	[tilespmem:$0x1FA80] =	vst v63  }
0x23: {  	_ =	swait.ge [sflag:s18], $0x80  }
0x24: {  	[sflag:s18] =	ssyncset.done $0x0  }
0x25: {  	[sflag:s18] =	ssyncadd.s32 $0xFFFFFF80  }
0x26: {  	[tilespmem:s19], [sflag:$0x3] =	stream.linear.gather [hbm4b:s6+s3], $0x80, $0x38;
	[tilespmem:$0x1FA80] =	vst v63  }
0x27: {  	_ =	swait.ge [sflag:s18], $0x80  }
0x28: {  	[sflag:s18] =	ssyncset.done $0x0  }
0x29: {  	[sflag:s18] =	ssyncadd.s32 $0xFFFFFF80  }
0x2a: {  	[tilespmem:s20], [sflag:$0x1] =	stream.indirect.gather [hbm4b:s4+s19], $0x80, s3, s19, $0xb8;
	[tilespmem:$0x1FA80] =	vst v63  }
0x2b: {  	s28 =	sadd.s32 $0x0, s13  }
0x2c: {  	[tilespmem:s21], [sflag:$0x3] =	stream.linear.gather [hbm4b:s28+s3], $0x80, $0x38;
	[tilespmem:$0x1FA80] =	vst v63  }
0x2d: {  	_ =	swait.ge [sflag:s18], $0x80  }
0x2e: {  	[sflag:s18] =	ssyncset.done $0x0  }
0x2f: {  	s28 =	sadd.s32 $0x0, s14;
	[sflag:s18] =	ssyncadd.s32 $0xFFFFFF80  }
0x30: {  	[tilespmem:s22], [sflag:$0x3] =	stream.linear.gather [hbm4b:s28+s3], $0x80, $0x38;
	[tilespmem:$0x1FA80] =	vst v63  }
0x31: {  	_ =	swait.ge [sflag:s18], $0x80  }
0x32: {  	[sflag:s18] =	ssyncset.done $0x0  }
0x33: {  	[sflag:s18] =	ssyncadd.s32 $0xFFFFFF80  }
0x34: {  	_ =	swait.ge [sflag:s23], $0x4000  }
0x35: {  	[sflag:s23] =	ssyncset.done $0x0  }
0x36: {  	[sflag:s23] =	ssyncadd.s32 $0xFFFFC000  }
0x37: {  	[tilespmem:s24], [sflag:$0x2] =	stream.indirect.gather [hbm4b:s4+s19], $0x80, s21, s19, $0xb8;
	[tilespmem:$0x1FA80] =	vst v63  }
0x38: {  	_ = 	snop  }
0x39: {  	[spmem:s2] =	stream.indirect.scatter.add.f32 [tilespmem:s20], [sflag:$0x3], $0x80, s19, s19, $0xb8;
	[tilespmem:$0x1FA80] =	vst v63  }
0x3a: {  	_ =	swait.ge [sflag:s18], $0x4000  }
0x3b: {  	[sflag:s18] =	ssyncset.done $0x0  }
0x3c: {  	s28 =	sadd.s32 $0x0, s11;
	[sflag:s18] =	ssyncadd.s32 $0xFFFFC000  }
0x3d: {  	[tilespmem:s3], [sflag:$0x3] =	stream.linear.gather [hbm4b:s28+s3], $0x80, $0x38;
	[tilespmem:$0x1FA80] =	vst v63  }
0x3e: {  	_ =	swait.ge [sflag:s18], $0x80  }
0x3f: {  	[sflag:s18] =	ssyncset.done $0x0  }
0x40: {  	s28 =	sadd.s32 $0x0, s12;
	[sflag:s18] =	ssyncadd.s32 $0xFFFFFF80  }
0x41: {  	[tilespmem:s19], [sflag:$0x3] =	stream.linear.gather [hbm4b:s28+s3], $0x80, $0x38;
	[tilespmem:$0x1FA80] =	vst v63  }
0x42: {  	_ =	swait.ge [sflag:s18], $0x80  }
0x43: {  	[sflag:s18] =	ssyncset.done $0x0  }
0x44: {  	[sflag:s18] =	ssyncadd.s32 $0xFFFFFF80  }
0x45: {  	_ =	swait.ge [sflag:s25], $0x4000  }
0x46: {  	[sflag:s25] =	ssyncset.done $0x0  }
0x47: {  	[sflag:s25] =	ssyncadd.s32 $0xFFFFC000  }
0x48: {  	[tilespmem:s20], [sflag:$0x1] =	stream.indirect.gather [hbm4b:s4+s19], $0x80, s3, s19, $0xb8;
	[tilespmem:$0x1FA80] =	vst v63  }
0x49: {  	_ = 	snop  }
0x4a: {  	[spmem:s2] =	stream.indirect.scatter.add.f32 [tilespmem:s24], [sflag:$0x3], $0x80, s22, s19, $0xb8;
	[tilespmem:$0x1FA80] =	vst v63  }
0x4b: {  	_ =	swait.ge [sflag:s18], $0x4000  }
0x4c: {  	s28 =	simm.s32 $0x20;
	[sflag:s18] =	ssyncset.done $0x0  }
.LBB2_2:
0x4d: {  	p3 =	sne.s32 s28, $0x4C0  }
0x4e: {  	[sflag:s18] =	ssyncadd.s32 $0xFFFFC000;
	s29 =	smov.u32 s28;
	s28 =	sadd.s32 $0x20, s28  }
0x4f: {  	s30 =	sadd.s32 s29, s13  }
0x50: {  	[tilespmem:s21], [sflag:$0x3] =	stream.linear.gather [hbm4b:s30+s3], $0x80, $0x38;
	[tilespmem:$0x1FA80] =	vst v63  }
0x51: {  	_ =	swait.ge [sflag:s18], $0x80  }
0x52: {  	[sflag:s18] =	ssyncset.done $0x0  }
0x53: {  	s30 =	sadd.s32 s29, s14;
	[sflag:s18] =	ssyncadd.s32 $0xFFFFFF80  }
0x54: {  	[tilespmem:s22], [sflag:$0x3] =	stream.linear.gather [hbm4b:s30+s3], $0x80, $0x38;
	[tilespmem:$0x1FA80] =	vst v63  }
0x55: {  	_ =	swait.ge [sflag:s18], $0x80  }
0x56: {  	[sflag:s18] =	ssyncset.done $0x0  }
0x57: {  	[sflag:s18] =	ssyncadd.s32 $0xFFFFFF80  }
0x58: {  	_ =	swait.ge [sflag:s23], $0x4000  }
0x59: {  	[sflag:s23] =	ssyncset.done $0x0  }
0x5a: {  	[sflag:s23] =	ssyncadd.s32 $0xFFFFC000  }
0x5b: {  	[tilespmem:s24], [sflag:$0x2] =	stream.indirect.gather [hbm4b:s4+s19], $0x80, s21, s19, $0xb8;
	[tilespmem:$0x1FA80] =	vst v63  }
0x5c: {  	_ = 	snop  }
0x5d: {  	[spmem:s2] =	stream.indirect.scatter.add.f32 [tilespmem:s20], [sflag:$0x3], $0x80, s19, s19, $0xb8;
	[tilespmem:$0x1FA80] =	vst v63  }
0x5e: {  	_ =	swait.ge [sflag:s18], $0x4000  }
0x5f: {  	[sflag:s18] =	ssyncset.done $0x0  }
0x60: {  	s30 =	sadd.s32 s29, s11;
	[sflag:s18] =	ssyncadd.s32 $0xFFFFC000  }
0x61: {  	[tilespmem:s3], [sflag:$0x3] =	stream.linear.gather [hbm4b:s30+s3], $0x80, $0x38;
	[tilespmem:$0x1FA80] =	vst v63  }
0x62: {  	_ =	swait.ge [sflag:s18], $0x80  }
0x63: {  	[sflag:s18] =	ssyncset.done $0x0  }
0x64: {  	s29 =	sadd.s32 s29, s12;
	[sflag:s18] =	ssyncadd.s32 $0xFFFFFF80  }
0x65: {  	[tilespmem:s19], [sflag:$0x3] =	stream.linear.gather [hbm4b:s29+s3], $0x80, $0x38;
	[tilespmem:$0x1FA80] =	vst v63  }
0x66: {  	_ =	swait.ge [sflag:s18], $0x80  }
0x67: {  	[sflag:s18] =	ssyncset.done $0x0  }
0x68: {  	[sflag:s18] =	ssyncadd.s32 $0xFFFFFF80  }
0x69: {  	_ =	swait.ge [sflag:s25], $0x4000  }
0x6a: {  	[sflag:s25] =	ssyncset.done $0x0  }
0x6b: {  	[sflag:s25] =	ssyncadd.s32 $0xFFFFC000  }
0x6c: {  	[tilespmem:s20], [sflag:$0x1] =	stream.indirect.gather [hbm4b:s4+s19], $0x80, s3, s19, $0xb8;
	[tilespmem:$0x1FA80] =	vst v63  }
.Ltmp0:
0x6d: {  	_ = 	snop;
	(pc) =	sbr.rel @p3 .LBB2_2-.Ltmp0, $4  }
0x6e: {  	_ = 	snop  }
0x6f: {  	[spmem:s2] =	stream.indirect.scatter.add.f32 [tilespmem:s24], [sflag:$0x3], $0x80, s22, s19, $0xb8;
	[tilespmem:$0x1FA80] =	vst v63  }
0x70: {  	_ =	swait.ge [sflag:s18], $0x4000  }
0x71: {  	[sflag:s18] =	ssyncset.done $0x0  }
0x72: {  	[sflag:s18] =	ssyncadd.s32 $0xFFFFC000  }
0x73: {  	[tilespmem:s21], [sflag:$0x3] =	stream.linear.gather [hbm4b:s9+s3], $0x80, $0x38;
	[tilespmem:$0x1FA80] =	vst v63  }
0x74: {  	_ =	swait.ge [sflag:s18], $0x80  }
0x75: {  	[sflag:s18] =	ssyncset.done $0x0  }
0x76: {  	[sflag:s18] =	ssyncadd.s32 $0xFFFFFF80  }
0x77: {  	[tilespmem:s22], [sflag:$0x3] =	stream.linear.gather [hbm4b:s10+s3], $0x80, $0x38;
	[tilespmem:$0x1FA80] =	vst v63  }
0x78: {  	_ =	swait.ge [sflag:s18], $0x80  }
0x79: {  	[sflag:s18] =	ssyncset.done $0x0  }
0x7a: {  	[sflag:s18] =	ssyncadd.s32 $0xFFFFFF80  }
0x7b: {  	_ =	swait.ge [sflag:s23], $0x4000  }
0x7c: {  	[sflag:s23] =	ssyncset.done $0x0  }
0x7d: {  	[sflag:s23] =	ssyncadd.s32 $0xFFFFC000  }
0x7e: {  	[tilespmem:s24], [sflag:$0x2] =	stream.indirect.gather [hbm4b:s4+s19], $0x80, s21, s19, $0xb8;
	[tilespmem:$0x1FA80] =	vst v63  }
0x7f: {  	_ = 	snop  }
0x80: {  	[spmem:s2] =	stream.indirect.scatter.add.f32 [tilespmem:s20], [sflag:$0x3], $0x80, s19, s19, $0xb8;
	[tilespmem:$0x1FA80] =	vst v63  }
0x81: {  	_ =	swait.ge [sflag:s18], $0x4000  }
0x82: {  	[sflag:s18] =	ssyncset.done $0x0  }
0x83: {  	[sflag:s18] =	ssyncadd.s32 $0xFFFFC000  }
0x84: {  	_ =	swait.ge [sflag:s25], $0x4000  }
0x85: {  	[sflag:s25] =	ssyncset.done $0x0  }
0x86: {  	[sflag:s25] =	ssyncadd.s32 $0xFFFFC000  }
0x87: {  	[spmem:s2] =	stream.indirect.scatter.add.f32 [tilespmem:s24], [sflag:$0x3], $0x80, s22, s19, $0xb8;
	[tilespmem:$0x1FA80] =	vst v63  }
0x88: {  	_ =	swait.ge [sflag:s18], $0x4000  }
0x89: {  	[sflag:s18] =	ssyncset.done $0x0  }
0x8a: {  	s28 =	sshrl.u32 @!p2 s2, $0x3;
	s26 =	sadd.s32 $0x1, s26;
	[sflag:s18] =	ssyncadd.s32 $0xFFFFC000  }
0x8b: {  	s29 =	simm.s32 @!p2 $0x1C03;
	p3 =	sne.s32 s26, s8;
	[bflag:$0x0] =	sbarrier.arrive $0xFFFF  }
0x8c: {  	[hbm:s7], [sflag:s29] =	dma.local @!p2 [spmem:s28], $0x27100  }
.Ltmp1:
0x8d: {  	_ = 	snop;
	(pc) =	sbr.rel @p3 .LBB2_1-.Ltmp1, $4  }
0x8e: {  	s28 =	simm.s32 @!p2 $0x3  }
0x8f: {  	_ =	swait.ge @!p2 [sflag:s28], $0x27100  }
0x90: {  	[sflag:s28] =	ssyncset.done @!p2 $0x0  }
0x91: {  	[sflag:s28] =	ssyncadd.s32 @!p2 $0xFFFD8F00  }
0x92: {  	_ =	sfence.sel $0x180000  }
0x93: {  	[bflag:$0x0] =	sbarrier.arrive $0xFFFF  }
0x94: {  	_ =	strace $0x9000004D  }
0x95: {  	s0 =	sadd.s32 @!p2 $0x100000, s0;
	[bflag:$0x2] =	sbarrier.arrive $0xFFFF  }
0x96: {  	[sflag:s0] =	ssyncadd.tile.s32 @!p2 $0x1;
	_ =	shalt  }
.Lfunc_end2:
_tile_overlayer_lowered:
.L_overlay_start_2:
0x97: {  	(tag) =	ssettag $0x2  }
0x98: {  	s0 =	rddreg [dreg:$0x0];
	s2 =	stileid.u32  }
0x99: {  	s1 =	rddreg [dreg:$0x1];
	p0 =	sne.s32 s2, $0x0  }
0x9a: {  	s3 =	rddreg [dreg:$0x2];
	[bflag:$0x3] =	sbarrier.arrive $0xFFFF;
	s2 =	simm.s32 @!p0 $0x1C03  }
0x9b: {  	[timem:s3], [sflag:s2] =	dma.local @!p0 [hbm:s0], s1  }
0x9c: {  	s0 =	simm.s32 @!p0 $0x3  }
0x9d: {  	_ =	swait.ge @!p0 [sflag:s0], s1  }
0x9e: {  	s1 =	ssub.s32 @!p0 $0x0, s1;
	[sflag:s0] =	ssyncset.done @!p0 $0x0  }
0x9f: {  	[sflag:s0] =	ssyncadd.s32 @!p0 s1  }
0xa0: {  	[bflag:$0x3] =	sbarrier.arrive $0xFFFF  }
0xa1: {  	_ =	shalt  }

// kernel: kernel.9.cloned.1.call-start
scs
__scs_entry_jumppad:
0x0: {  	(pc) =	sbr.rel $0x88, $3  }
0x1: {  	(tag) =	ssettag $0x0;
	lr =	simm.s32 $0x1  }
0x2: {  	[smem:$0x3F9B] =	sst lr;
	_ =	strace $0xD0000000  }
0x3: {  	_ = 	snop  }
0x4: {  	_ = 	snop  }
0x5: {  	_ = 	snop  }
0x6: {  	_ = 	snop  }
0x7: {  	_ = 	snop  }
__scs_overlays_trampoline_lowered:
0x8: {  	[smem:$0x3FAA] =	sst s0  }
0x9: {  	[smem:$0x3FAB] =	sst s1  }
0xa: {  	[smem:$0x3FAC] =	sst s2  }
0xb: {  	[smem:$0x3FAD] =	sst s3  }
0xc: {  	[smem:$0x3FAE] =	sst s4  }
0xd: {  	[smem:$0x3FAF] =	sst s5  }
0xe: {  	[smem:$0x3FB0] =	sst s6  }
0xf: {  	[smem:$0x3FB1] =	sst s7  }
0x10: {  	[smem:$0x3FB2] =	sst s8  }
0x11: {  	[smem:$0x3FB3] =	sst s9;
	s0 =	simm.s32 @!p0 $0x0  }
0x12: {  	s1 =	sld [smem:$0x3F99];
	s0 =	simm.s32 @p0 $0x1  }
0x13: {  	[smem:$0x3FB4] =	sst s0;
	s0 =	simm.s32 @!p1 $0x0  }
0x14: {  	s2 =	sld [smem:$0x3F98];
	s0 =	simm.s32 @p1 $0x1  }
0x15: {  	[smem:$0x3FB5] =	sst s0;
	s0 =	simm.s32 @!p2 $0x0  }
0x16: {  	s3 =	sld [smem:$0x3FDB];
	s0 =	simm.s32 @p2 $0x1  }
0x17: {  	s4 =	simm.s32 $0x1BF5;
	[smem:$0x3FB7] =	sst s0  }
0x18: {  	s0 =	sld [smem:$0x3F9A];
	_ =	swait.ge [sflag:s4], $0x0  }
0x19: {  	s7 =	sld [smem:$0x3F9B]  }
0x1a: {  	s8 =	sadd.s32 $0xFFFFE003, lr  }
0x1b: {  	s9 =	sadd.s32 $0xFFFFFEF7, lr;
	s5 =	simm.s32 $0xFFFFFFFF;
	p2 =	slt.u32 s8, $0xFFFFF086  }
0x1c: {  	p1 =	slt.u32 s9, $0xF7A;
	s5 =	simm.s32 @!p2 $0x0  }
0x1d: {  	s5 =	simm.s32 @p1 $0x1;
	p0 =	seq.s32 s7, s2  }
0x1e: {  	s7 =	smul.u32 @!p0 $0xF7A, s2;
	p2 =	seq.s32 @!p0 s5, $0x0  }
0x1f: {  	s9 =	smul.u32 $0xF7A, s1;
	s8 =	simm.s32 @!p0 $0x1BF5;
	p2 =	por !p2, p0  }
0x20: {  	[sflag:s8] =	ssyncset.s32 @!p0 $0xFFFFF086;
	s6 =	sadd.s32 @!p0 s3, s7;
	s7 =	simm.s32 @!p0 $0x108  }
0x21: {  	s3 =	sadd.s32 s3, s9;
	s6 =	sadd.s32 @!p0 $0x88, s6;
	s7 =	simm.s32 @p2 $0x1082  }
0x22: {  	[simem:s7], [sflag:s8] =	dma.local @!p0 [hbm:s6], $0xF7A  }
0x23: {  	s9 =	sor.u32 $0xD0000000, s2;
	s6 =	simm.s32 $0x108;
	_ =	swait.ge @!p0 [sflag:s8], $0x0  }
0x24: {  	s3 =	sadd.s32 $0x88, s3;
	s6 =	simm.s32 @!p1 $0x1082;
	[sflag:s4] =	ssyncset.s32 $0xFFFFF086  }
0x25: {  	[simem:s6], [sflag:s4] =	dma.local [hbm:s3], $0xF7A  }
0x26: {  	[smem:$0x3F9B] =	sst s1;
	(tag) =	ssettag s2;
	_ =	strace s9  }
0x27: {  	s1 =	sld [smem:$0x3FAB]  }
0x28: {  	s2 =	sld [smem:$0x3FAC]  }
0x29: {  	s4 =	sld [smem:$0x3FAE]  }
0x2a: {  	p0 =	seq.s32 s5, $0x0;
	s5 =	sld [smem:$0x3FAF]  }
0x2b: {  	s6 =	sld [smem:$0x3FB0]  }
0x2c: {  	s7 =	sld [smem:$0x3FB1]  }
0x2d: {  	s3 =	simm.s32 $0x108;
	s8 =	sld [smem:$0x3FB2]  }
0x2e: {  	s3 =	simm.s32 @!p0 $0x1082;
	s9 =	sld [smem:$0x3FB3]  }
0x2f: {  	lr =	sadd.s32 s0, s3;
	s0 =	sld [smem:$0x3FAA]  }
0x30: {  	s3 =	sld [smem:$0x3FAD]  }
0x31: {  	[smem:$0x3FB6] =	sst s10  }
0x32: {  	s10 =	sld [smem:$0x3FB4];
	_ =	sdelay $0x3  }
0x33: {  	p0 =	seq.s32 s10, $0x1;
	s10 =	sld [smem:$0x3FB6];
	_ =	sdelay $0x3  }
0x34: {  	[smem:$0x3FB6] =	sst s10  }
0x35: {  	s10 =	sld [smem:$0x3FB5];
	_ =	sdelay $0x3  }
0x36: {  	p1 =	seq.s32 s10, $0x1;
	s10 =	sld [smem:$0x3FB6];
	_ =	sdelay $0x3  }
0x37: {  	[smem:$0x3FB6] =	sst s10  }
0x38: {  	s10 =	sld [smem:$0x3FB7]  }
0x39: {  	_ = 	snop;
	(pc) =	sbr.ind lr, $3  }
0x3a: {  	_ = 	snop  }
0x3b: {  	_ = 	snop  }
0x3c: {  	p2 =	seq.s32 s10, $0x1;
	s10 =	sld [smem:$0x3FB6]  }
0x3d: {  	_ =	shalt  }
0x3e: {  	_ =	shalt  }
0x3f: {  	_ =	shalt  }
0x40: {  	_ =	shalt  }
0x41: {  	_ =	shalt  }
0x42: {  	_ =	shalt  }
0x43: {  	_ =	shalt  }
0x44: {  	_ =	shalt  }
0x45: {  	_ =	shalt  }
0x46: {  	_ =	shalt  }
0x47: {  	_ =	shalt  }
0x48: {  	_ =	shalt  }
0x49: {  	_ =	shalt  }
0x4a: {  	_ =	shalt  }
0x4b: {  	_ =	shalt  }
0x4c: {  	_ =	shalt  }
0x4d: {  	_ =	shalt  }
0x4e: {  	_ =	shalt  }
0x4f: {  	_ =	shalt  }
0x50: {  	_ =	shalt  }
0x51: {  	_ =	shalt  }
0x52: {  	_ =	shalt  }
0x53: {  	_ =	shalt  }
0x54: {  	_ =	shalt  }
0x55: {  	_ =	shalt  }
0x56: {  	_ =	shalt  }
0x57: {  	_ =	shalt  }
0x58: {  	_ =	shalt  }
0x59: {  	_ =	shalt  }
0x5a: {  	_ =	shalt  }
0x5b: {  	_ =	shalt  }
0x5c: {  	_ =	shalt  }
0x5d: {  	_ =	shalt  }
0x5e: {  	_ =	shalt  }
0x5f: {  	_ =	shalt  }
0x60: {  	_ =	shalt  }
0x61: {  	_ =	shalt  }
0x62: {  	_ =	shalt  }
0x63: {  	_ =	shalt  }
0x64: {  	_ =	shalt  }
0x65: {  	_ =	shalt  }
0x66: {  	_ =	shalt  }
0x67: {  	_ =	shalt  }
0x68: {  	_ =	shalt  }
0x69: {  	_ =	shalt  }
0x6a: {  	_ =	shalt  }
0x6b: {  	_ =	shalt  }
0x6c: {  	_ =	shalt  }
0x6d: {  	_ =	shalt  }
0x6e: {  	_ =	shalt  }
0x6f: {  	_ =	shalt  }
0x70: {  	_ =	shalt  }
0x71: {  	_ =	shalt  }
0x72: {  	_ =	shalt  }
0x73: {  	_ =	shalt  }
0x74: {  	_ =	shalt  }
0x75: {  	_ =	shalt  }
0x76: {  	_ =	shalt  }
0x77: {  	_ =	shalt  }
0x78: {  	_ =	shalt  }
0x79: {  	_ =	shalt  }
0x7a: {  	_ =	shalt  }
0x7b: {  	_ =	shalt  }
0x7c: {  	_ =	shalt  }
0x7d: {  	_ =	shalt  }
0x7e: {  	_ =	shalt  }
0x7f: {  	_ =	shalt  }
0x80: {  	_ =	shalt  }
0x81: {  	_ =	shalt  }
0x82: {  	_ =	shalt  }
0x83: {  	_ =	shalt  }
0x84: {  	_ =	shalt  }
0x85: {  	_ =	shalt  }
0x86: {  	_ =	shalt  }
0x87: {  	_ =	shalt  }
.Lfunc_end0:
.L_simem_size_0:
called_computation_lowered:
.L_overlay_start_0:
0x88: {  	s2 =	sld [smem:$0x3FD9]  }
0x89: {  	s3 =	sld [smem:$0x3FFE];
	_ =	sdelay $0x1  }
0x8a: {  	s1 =	srdreg.scid  }
0x8b: {  	s0 =	sand.u32 $0x1, s1  }
0x8c: {  	s17 =	sshll.u32 s0, $0xA;
	s2 =	sadd.s32 s3, s2  }
0x8d: {  	s2 =	sadd.s32 s2, s17  }
0x8e: {  	[smem:$0x3FC2] =	sst s2  }
0x8f: {  	_ = 	snop  }
0x90: {  	s2 =	sld [smem:$0x3FD0];
	(tm) =	ssettm $0x1  }
0x91: {  	s18 =	sld [smem:$0x3FFB];
	_ =	sdelay $0x3  }
0x92: {  	_ =	strace s18  }
0x93: {  	s3 =	sld [smem:$0x3FFC];
	_ =	sdelay $0x3  }
0x94: {  	_ =	strace s3  }
0x95: {  	s3 =	sld [smem:$0x3FFD];
	_ =	sdelay $0x3  }
0x96: {  	_ =	strace s3  }
0x97: {  	_ =	strace $0x8FFFFFFF  }
0x98: {  	s19 =	sld [smem:$0x3FDB];
	_ =	sdelay $0x1  }
0x99: {  	s4 =	simm.s32 $_scs_section_size  }
0x9a: {  	s5 =	simm.s32 $_size__tile_overlayer_lowered;
	s6 =	simm.s32 $_tile_overlayer_lowered  }
0x9b: {  	s22 =	simm.s32 $0x1BFF;
	s21 =	sshll.u32 s6, $0x1;
	s3 =	sadd.s32 s4, s19  }
0x9c: {  	s7 =	simm.s32 $0x0;
	s20 =	sshll.u32 s5, $0x1;
	s5 =	sadd.s32 s21, s3  }
0x9d: {  	[timem:s7], [sflag:s22] =	dma.local [hbm:s5], s20  }
0x9e: {  	_ =	swait.ge [sflag:s22], s20  }
0x9f: {  	s4 =	ssub.s32 $0x0, s20;
	[sflag:s22] =	ssyncset.done $0x0  }
0xa0: {  	[sflag:s22] =	ssyncadd.s32 s4;
	_ =	sdelay $0x1  }
0xa1: {  	s23 =	simm.s32 $0x1B8B  }
0xa2: {  	_ =	swait.ge [sflag:s23], $0x1  }
0xa3: {  	[sflag:s23] =	ssyncset.done $0x0  }
0xa4: {  	s25 =	simm.s32 $0x1B8E;
	s24 =	sld [smem:$0x3FFE];
	[sflag:s23] =	ssyncadd.s32 $0xFFFFFFFF  }
0xa5: {  	s26 =	simm.s32 $execute0_lowered;
	[smem:$0x3FD2] =	sst s25  }
0xa6: {  	s5 =	sshll.u32 s26, $0x1;
	_ =	strace $0x80000046;
	[dreg:$0x1] =	wrdreg $0xFFFFFFFF  }
0xa7: {  	s28 =	simm.s32 $_size_execute0_lowered;
	s3 =	sadd.s32 s3, s5;
	[dreg:$0x0] =	wrdreg $0x0  }
0xa8: {  	s5 =	sshll.u32 s28, $0x1;
	[dreg:$0x2] =	wrdreg s3  }
0xa9: {  	[dreg:$0x3] =	wrdreg s5  }
0xaa: {  	[dreg:$0x4] =	wrdreg $0xC0  }
0xab: {  	_ =	task [dreg:s7], $0x5FFFF  }
0xac: {  	[dreg:$0x1] =	wrdreg $0xFFFFFFFF  }
0xad: {  	[dreg:$0x0] =	wrdreg $0x60  }
0xae: {  	[dreg:$0x2] =	wrdreg s24  }
0xaf: {  	[dreg:$0x3] =	wrdreg s2  }
0xb0: {  	[dreg:$0x4] =	wrdreg $0x58800  }
0xb1: {  	[dreg:$0x5] =	wrdreg $0x9  }
0xb2: {  	_ =	task.clear_ibuf [dreg:s7], $0x6FFFF;
	_ =	strace $0x90000046  }
0xb3: {  	s29 =	simm.s32 $0x9;
	_ =	strace $0x80000048  }
0xb4: {  	_ =	swait.ge [sflag:s29], $0x1  }
0xb5: {  	[sflag:s29] =	ssyncadd.s32 $0xFFFFFFFF  }
0xb6: {  	_ =	strace $0x90000048  }
0xb7: {  	_ =	sfence  }
0xb8: {  	s30 =	sld [smem:$0x0];
	_ =	sdelay $0x2  }
0xb9: {  	s31 =	sshll.u32 s1, $0xD;
	s1 =	sshrl.u32 s1, $0x2  }
0xba: {  	s3 =	sand.u32 $0x4000, s31;
	s1 =	sadd.s32 s1, s30  }
0xbb: {  	s0 =	sor.u32 s3, s0;
	s1 =	sshll.u32 s1, $0x11  }
0xbc: {  	s0 =	sor.u32 s1, s0  }
0xbd: {  	s0 =	sadd.s32 $0x8F2B, s0  }
0xbe: {  	[sflag:s0] =	ssyncadd.remote.s32 $0x1  }
0xbf: {  	_ =	sfence.sel $0xFFFF  }
0xc0: {  	[dreg:$0x0] =	wrdreg $0xFFFFFFFF;
	(pc) =	sbr.abs _section_cstart, $3  }
0xc1: {  	[dreg:$0x1] =	wrdreg $0xFFFFFFFF  }
0xc2: {  	_ =	task.clear_ibuf [dreg:s7], $0x2FFFF;
	_ =	strace $0x9FFFFFFF  }
0xc3: {  	(tm) =	ssettm $0x7FFFFFFF  }
tec
execute0_lowered:
.L_overlay_start_1:
0x0: {  	(tag) =	ssettag $0x1  }
0x1: {  	s0 =	srdreg.scid;
	s4 =	rddreg [dreg:$0x0]  }
0x2: {  	s1 =	rddreg [dreg:$0x1];
	s6 =	stileid.u32  }
0x3: {  	s2 =	rddreg [dreg:$0x2];
	s3 =	simm.s32 $0x0;
	s10 =	simm.s32 $0x60  }
0x4: {  	s11 =	simm.s32 $0x5800;
	s5 =	sand.u32 $0x1, s0;
	[smem:$0x7FF] =	sst s3  }
0x5: {  	p0 =	sne.s32 s6, $0x0;
	s0 =	sshll.u32 s5, $0x4;
	s8 =	smul.u32 $0x600, s5  }
0x6: {  	s5 =	ssub.s32 $0x2, s5;
	s7 =	sor.u32 s6, s0;
	s0 =	rddreg [dreg:$0x3]  }
0x7: {  	s9 =	sshrl.u32 s5, $0x1;
	s7 =	smul.u32 $0x500, s7;
	s8 =	sadd.s32 s8, s4  }
0x8: {  	v0 =	vimm.f32 $0.0e+00;
	v1 =	vlaneseq.u32;
	_ =	strace $0x80000047;
	s9 =	ssub.s32 s5, s9;
	s5 =	sadd.s32 $0x16000, s8  }
0x9: {  	v7 =	vimm.f32 $1.000000000e+00;
	v2 =	vor.u32 $0x10, v1;
	v3 =	vor.u32 $0x20, v1;
	s6 =	smax.u32 s9, $0x1;
	s8 =	simm.s32 $0x1;
	s7 =	sadd.s32 s7, s4  }
0xa: {  	v4 =	vor.u32 $0x30, v1;
	v5 =	vor.u32 $0x40, v1;
	v6 =	vor.u32 $0x50, v1;
	s9 =	simm.s32 $0x2800;
	s4 =	sadd.s32 $0x2000, s7;
	s7 =	sshrl.u32 @!p0 s2, $0x3  }
.LBB2_1:
0xb: {  	s12 =	simm.s32 @!p0 $0x1C01  }
0xc: {  	[spmem:s7], [sflag:s12] =	dma.local @!p0 [hbm:s1], $0x600  }
0xd: {  	s12 =	simm.s32 @!p0 $0x1  }
0xe: {  	_ =	swait.ge @!p0 [sflag:s12], $0x600  }
0xf: {  	[sflag:s12] =	ssyncset.done @!p0 $0x0  }
0x10: {  	s13 =	simm.s32 $0x3C0;
	[sflag:s12] =	ssyncadd.s32 @!p0 $0xFFFFFA00;
	s12 =	simm.s32 $0x70  }
.LBB2_2:
0x11: {  	p1 =	sne.s32 s13, $0xBFC0;
	[tilespmem:s12+$0x2800] =	vst v0  }
0x12: {  	[tilespmem:s12+$0x2790] =	vst v0  }
0x13: {  	[tilespmem:s12+$0x27A0] =	vst v0  }
.Ltmp0:
0x14: {  	[tilespmem:s12+$0x27B0] =	vst v0;
	(pc) =	sbr.rel @p1 .LBB2_2-.Ltmp0, $4  }
0x15: {  	[tilespmem:s12+$0x27C0] =	vst v0  }
0x16: {  	[tilespmem:s12+$0x27D0] =	vst v0  }
0x17: {  	[tilespmem:s12+$0x27E0] =	vst v0  }
0x18: {  	[tilespmem:s12+$0x27F0] =	vst v0;
	s12 =	sshra.s32 s13, $0x2;
	s13 =	sadd.s32 $0x200, s13  }
0x19: {  	[tilespmem:s12+$0x2800] =	vst v0  }
0x1a: {  	[tilespmem:s12+$0x2790] =	vst v0  }
0x1b: {  	[tilespmem:s12+$0x27A0] =	vst v0  }
0x1c: {  	[tilespmem:s12+$0x27B0] =	vst v0  }
0x1d: {  	[tilespmem:s12+$0x27C0] =	vst v0  }
0x1e: {  	[tilespmem:s12+$0x27D0] =	vst v0  }
0x1f: {  	[tilespmem:s12+$0x27E0] =	vst v0  }
0x20: {  	[tilespmem:s12+$0x27F0] =	vst v0  }
0x21: {  	[tilespmem:$0x5800] =	vst v1  }
0x22: {  	[tilespmem:$0x5810] =	vst v2  }
0x23: {  	[tilespmem:$0x5820] =	vst v3  }
0x24: {  	[tilespmem:$0x5830] =	vst v4  }
0x25: {  	[tilespmem:$0x5840] =	vst v5  }
0x26: {  	s31 =	simm.s32 $0x0;
	[tilespmem:$0x5850] =	vst v6  }
0x27: {  	[tilespmem:s31], [sflag:$0x1] =	stream.linear.gather [hbm4b:s4+s31], $0x2800, $0x38;
	[tilespmem:$0x5B80] =	vst v63  }
0x28: {  	_ =	swait.ge [sflag:s8], $0x2800  }
0x29: {  	[sflag:s8] =	ssyncset.done $0x0  }
0x2a: {  	s13 =	simm.s32 $0x0;
	s12 =	simm.s32 $0x40;
	[sflag:s8] =	ssyncadd.s32 $0xFFFFD800  }
.LBB2_4:
0x2b: {  	p1 =	sne.s32 s12, $0x9FC0;
	v8 =	vld [tilespmem:s13+$0x0];
	_ =	sdelay $0x3  }
.Ltmp1:
0x2c: {  	(pc) =	sbr.rel @p1 .LBB2_4-.Ltmp1, $2  }
0x2d: {  	_ =	sdelay $0x2  }
0x2e: {  	s13 =	sshra.s32 s12, $0x2;
	s12 =	sadd.s32 $0x40, s12;
	[tilespmem:v8+s9+$0x0] =	vst.idx.add.f32.msk $0xffff, v7  }
0x2f: {  	v8 =	vld [tilespmem:s13+$0x0];
	_ =	sdelay $0x7  }
0x30: {  	[tilespmem:v8+s9+$0x0] =	vst.idx.add.f32.msk $0xffff, v7  }
0x31: {  	[bflag:$0x0] =	sbarrier.arrive $0xFFFF  }
0x32: {  	[spmem:s2] =	stream.indirect.scatter.add.f32 [tilespmem:s9], [sflag:$0x1], $0x80, s11, s10, $0xb8;
	[tilespmem:$0x5B80] =	vst v63  }
0x33: {  	_ =	swait.ge [sflag:s8], $0x3000  }
0x34: {  	[sflag:s8] =	ssyncset.done $0x0  }
0x35: {  	s3 =	sadd.s32 $0x1, s3;
	[sflag:s8] =	ssyncadd.s32 $0xFFFFD000  }
0x36: {  	s12 =	simm.s32 @!p0 $0x1C01;
	p1 =	sne.s32 s3, s6;
	[bflag:$0x0] =	sbarrier.arrive $0xFFFF  }
0x37: {  	[hbm:s5], [sflag:s12] =	dma.local @!p0 [spmem:s7], $0x600  }
.Ltmp2:
0x38: {  	_ = 	snop;
	(pc) =	sbr.rel @p1 .LBB2_1-.Ltmp2, $4  }
0x39: {  	s12 =	simm.s32 @!p0 $0x1  }
0x3a: {  	_ =	swait.ge @!p0 [sflag:s12], $0x600  }
0x3b: {  	[sflag:s12] =	ssyncset.done @!p0 $0x0  }
0x3c: {  	[sflag:s12] =	ssyncadd.s32 @!p0 $0xFFFFFA00  }
0x3d: {  	_ =	sfence.sel $0x180000  }
0x3e: {  	[bflag:$0x0] =	sbarrier.arrive $0xFFFF  }
0x3f: {  	_ =	strace $0x90000047  }
0x40: {  	s0 =	sadd.s32 @!p0 $0x100000, s0;
	[bflag:$0x2] =	sbarrier.arrive $0xFFFF  }
0x41: {  	[sflag:s0] =	ssyncadd.tile.s32 @!p0 $0x1;
	_ =	shalt  }
.Lfunc_end2:
_tile_overlayer_lowered:
.L_overlay_start_2:
0x42: {  	(tag) =	ssettag $0x2  }
0x43: {  	s0 =	rddreg [dreg:$0x0];
	s2 =	stileid.u32  }
0x44: {  	s1 =	rddreg [dreg:$0x1];
	p0 =	sne.s32 s2, $0x0  }
0x45: {  	s3 =	rddreg [dreg:$0x2];
	[bflag:$0x3] =	sbarrier.arrive $0xFFFF;
	s2 =	simm.s32 @!p0 $0x1C01  }
0x46: {  	[timem:s3], [sflag:s2] =	dma.local @!p0 [hbm:s0], s1  }
0x47: {  	s0 =	simm.s32 @!p0 $0x1  }
0x48: {  	_ =	swait.ge @!p0 [sflag:s0], s1  }
0x49: {  	s1 =	ssub.s32 @!p0 $0x0, s1;
	[sflag:s0] =	ssyncset.done @!p0 $0x0  }
0x4a: {  	[sflag:s0] =	ssyncadd.s32 @!p0 s1  }
0x4b: {  	[bflag:$0x3] =	sbarrier.arrive $0xFFFF  }
0x4c: {  	_ =	shalt  }

</sc_bundles>
